<compile_context>
chip_gen: v7x
topology: tpu7x:2x2x1
jax: 0.10.2.dev20260603
libtpu: 0.0.44.dev20260713+nightly
codegen_flags: <defaults>
</compile_context>

<pallas_src>
import functools

import jax
import jax.numpy as jnp
from jax import lax
from jax.experimental import pallas as pl
from jax.experimental.pallas import tpu as pltpu
from jax.experimental.pallas import tpu_sc as plsc

_N = 10000
_E = 320000
_D = 128
_H = 16
_C = 40

_NC = 2
_NS = 16
_NW = _NC * _NS
_CK = 128
_EPW = _E // _NW
_NCH = 80
_EPW_PAD = _NCH * _CK
_NP = 10240
_RPT = _NP // _NS

_mesh = plsc.VectorSubcoreMesh(core_axis_name="c", subcore_axis_name="s")



@functools.partial(
    pl.kernel,
    out_type=jax.ShapeDtypeStruct((_NC, _NP), jnp.float32),
    mesh=_mesh,
    scratch_types=[
        pltpu.VMEM((_NCH, _CK), jnp.int32),
        pltpu.VMEM((_CK,), jnp.float32),
        pltpu.VMEM_SHARED((_NP,), jnp.float32),
        pltpu.SemaphoreType.DMA,
        pltpu.SemaphoreType.DMA,
        pltpu.SemaphoreType.DMA,
        pltpu.SemaphoreType.DMA,
    ],
)
def _sc_degree(dst_hbm, zeros_hbm, ones_hbm, deg_out, dst_v, ones_v, acc_sh,
               sem0, sem1, sem2, sem3):
    c = lax.axis_index("c")
    s = lax.axis_index("s")
    wid = s * _NC + c
    pltpu.sync_copy(dst_hbm.at[wid], dst_v)
    pltpu.sync_copy(ones_hbm, ones_v)
    pltpu.sync_copy(zeros_hbm.at[pl.ds(s * _RPT, _RPT)],
                    acc_sh.at[pl.ds(s * _RPT, _RPT)])
    plsc.subcore_barrier()

    sems = (sem0, sem1, sem2, sem3)

    def body(jj, carry):
        for b in range(4):
            j = jj * 4 + b

            @pl.when(j >= 4)
            def _():
                pltpu.make_async_copy(ones_v, acc_sh.at[dst_v.at[j - 4]],
                                      sems[b]).wait()

            pltpu.async_copy(ones_v, acc_sh.at[dst_v.at[j]], sems[b],
                             add=True)
        return carry

    lax.fori_loop(0, _NCH // 4, body, 0)
    for j in range(_NCH - 4, _NCH):
        pltpu.make_async_copy(ones_v, acc_sh.at[dst_v.at[j]],
                              sems[j % 4]).wait()
    plsc.subcore_barrier()
    pltpu.sync_copy(acc_sh.at[pl.ds(s * _RPT, _RPT)],
                    deg_out.at[c].at[pl.ds(s * _RPT, _RPT)])


@functools.partial(
    pl.kernel,
    out_type=jax.ShapeDtypeStruct((_NC, _NP, _H), jnp.float32),
    mesh=_mesh,
    compiler_params=pltpu.CompilerParams(use_tc_tiling_on_sc=False),
    scratch_types=[
        pltpu.VMEM((_NCH, _CK), jnp.int32),
        pltpu.VMEM((_NCH, _CK), jnp.int32),
        pltpu.VMEM((4, _CK, _H), jnp.float32),
        pltpu.VMEM_SHARED((_NP, _H), jnp.float32),
        pltpu.SemaphoreType.DMA,
        pltpu.SemaphoreType.DMA,
        pltpu.SemaphoreType.DMA,
        pltpu.SemaphoreType.DMA,
    ],
)
def _sc_aggregate(p_hbm, src_hbm, dst_hbm, zeros_hbm, agg_out,
                  src_v, dst_v, rows_v, acc_sh, sem0, sem1, sem2, sem3):
    c = lax.axis_index("c")
    s = lax.axis_index("s")
    wid = s * _NC + c
    pltpu.sync_copy(src_hbm.at[wid], src_v)
    pltpu.sync_copy(dst_hbm.at[wid], dst_v)
    pltpu.sync_copy(zeros_hbm.at[pl.ds(s * _RPT, _RPT)],
                    acc_sh.at[pl.ds(s * _RPT, _RPT)])
    plsc.subcore_barrier()

    sems = (sem0, sem1, sem2, sem3)
    pltpu.async_copy(p_hbm.at[src_v.at[0]], rows_v.at[0], sems[0])
    pltpu.async_copy(p_hbm.at[src_v.at[1]], rows_v.at[1], sems[1])

    def body(jj, carry):
        for b in range(4):
            j = jj * 4 + b
            b2 = (b + 2) % 4
            pltpu.make_async_copy(p_hbm.at[src_v.at[j]], rows_v.at[b],
                                  sems[b]).wait()
            pltpu.async_copy(rows_v.at[b], acc_sh.at[dst_v.at[j]], sems[b],
                             add=True)

            @pl.when(j >= 2)
            def _():
                pltpu.make_async_copy(rows_v.at[b2],
                                      acc_sh.at[dst_v.at[j - 2]],
                                      sems[b2]).wait()

            @pl.when(j + 2 < _NCH)
            def _():
                pltpu.async_copy(p_hbm.at[src_v.at[j + 2]], rows_v.at[b2],
                                 sems[b2])
        return carry

    lax.fori_loop(0, _NCH // 4, body, 0)
    for j in (_NCH - 2, _NCH - 1):
        b = j % 4
        pltpu.make_async_copy(rows_v.at[b], acc_sh.at[dst_v.at[j]],
                              sems[b]).wait()
    plsc.subcore_barrier()
    pltpu.sync_copy(acc_sh.at[pl.ds(s * _RPT, _RPT)],
                    agg_out.at[c].at[pl.ds(s * _RPT, _RPT)])



def _dis(degp_ref):
    return lax.rsqrt(degp_ref[0] + degp_ref[1] + 1.0)[:_N]


def _tc_mm1_body(x_ref, w1_ref, h_ref):
    h_ref[...] = jnp.dot(x_ref[...], w1_ref[...],
                         preferred_element_type=jnp.float32)


def _tc_scale_body(degp_ref, h_ref, p1_ref):
    p1_ref[...] = h_ref[...] * _dis(degp_ref)


def _tc_mid_body(degp_ref, a1p_ref, p1_ref, b1_ref, p2_ref):
    dis = _dis(degp_ref)
    total = a1p_ref[0, :_N] + a1p_ref[1, :_N] + p1_ref[...]
    o1 = jnp.maximum(total * dis + b1_ref[...], 0.0)
    p2_ref[...] = o1 * dis


def _tc_out_body(degp_ref, a2p_ref, p2_ref, w2_ref, b2_ref, out_ref):
    dis = _dis(degp_ref)
    total = a2p_ref[0, :_N] + a2p_ref[1, :_N] + p2_ref[...]
    out_ref[...] = jnp.dot(total * dis, w2_ref[...],
                           preferred_element_type=jnp.float32) + b2_ref[...]


_tc_mm1 = pl.pallas_call(
    _tc_mm1_body, out_shape=jax.ShapeDtypeStruct((_N, _H), jnp.float32))
_tc_scale = pl.pallas_call(
    _tc_scale_body, out_shape=jax.ShapeDtypeStruct((_N, _H), jnp.float32))
_tc_mid = pl.pallas_call(
    _tc_mid_body, out_shape=jax.ShapeDtypeStruct((_N, _H), jnp.float32))
_tc_out = pl.pallas_call(
    _tc_out_body, out_shape=jax.ShapeDtypeStruct((_N, _C), jnp.float32))



def kernel(x, edge_index, W1, b1, W2, b2):
    src = edge_index[0].astype(jnp.int32)
    dst = edge_index[1].astype(jnp.int32)
    pad = _EPW_PAD - _EPW
    src_r = jnp.pad(src.reshape(_NW, _EPW), ((0, 0), (0, pad))
                    ).reshape(_NW, _NCH, _CK)
    dst_r = jnp.pad(dst.reshape(_NW, _EPW), ((0, 0), (0, pad)),
                    constant_values=_N).reshape(_NW, _NCH, _CK)
    zeros_nh = jnp.zeros((_NP, _H), jnp.float32)
    zeros_np = jnp.zeros((_NP,), jnp.float32)
    ones_ck = jnp.ones((_CK,), jnp.float32)

    h = _tc_mm1(x, W1)
    degp = _sc_degree(dst_r, zeros_np, ones_ck).reshape(_NC, _NP, 1)
    p1 = _tc_scale(degp, h)
    a1p = _sc_aggregate(p1, src_r, dst_r, zeros_nh)
    p2 = _tc_mid(degp, a1p, p1, b1.reshape(1, _H))
    a2p = _sc_aggregate(p2, src_r, dst_r, zeros_nh)
    return _tc_out(degp, a2p, p2, W2, b2.reshape(1, _C))

# --- scband reference (transcript-rebuilt; emitter-appended) ---
"""Pipeline reference for scband-gnnmodel-59880434040858 (READ-ONLY COPY).

The authoritative reference and input builder live on the scoring server;
editing this copy changes nothing except your own understanding.
"""

import jax, jax.numpy as jnp
import numpy as np

N = 10000
E = 320000
D = 128
H = 16
C = 40


def setup_inputs(seed: int = 0) -> dict:
    key = jax.random.key(seed)
    k1, k2, k3, k4 = jax.random.split(key, 4)
    x = jax.random.normal(k1, (N, D), dtype=jnp.float32)
    edge_index = jax.random.randint(k2, (2, E), 0, N)
    # GCNConv layer 1: in=128 -> out=16 (glorot-like init)
    W1 = jax.random.normal(k3, (D, H), dtype=jnp.float32) * (1.0 / np.sqrt(D))
    b1 = jnp.zeros((H,), dtype=jnp.float32)
    # GCNConv layer 2: in=16 -> out=40
    W2 = jax.random.normal(k4, (H, C), dtype=jnp.float32) * (1.0 / np.sqrt(H))
    b2 = jnp.zeros((C,), dtype=jnp.float32)
    return {"x": x, "edge_index": edge_index, "W1": W1, "b1": b1, "W2": W2, "b2": b2}


def _gcn_conv(x, edge_index, W, b):
    # Faithful PyG GCNConv: add self-loops, symmetric D^{-1/2} A_hat D^{-1/2} normalization,
    # linear transform, scatter-add aggregation, bias.
    n = x.shape[0]
    src = edge_index[0]
    dst = edge_index[1]
    loop = jnp.arange(n, dtype=src.dtype)
    src = jnp.concatenate([src, loop])
    dst = jnp.concatenate([dst, loop])
    deg = jnp.zeros((n,), dtype=x.dtype).at[dst].add(1.0)
    deg_inv_sqrt = jnp.where(deg > 0, jax.lax.rsqrt(jnp.maximum(deg, 1e-12)), 0.0)
    norm = deg_inv_sqrt[src] * deg_inv_sqrt[dst]
    h = x @ W
    msg = h[src] * norm[:, None]
    out = jax.ops.segment_sum(msg, dst, num_segments=n)
    return out + b


def reference(x, edge_index, W1, b1, W2, b2):
    h = jax.nn.relu(_gcn_conv(x, edge_index, W1, b1))
    out = _gcn_conv(h, edge_index, W2, b2)
    return out

if __name__ == "__main__":
    import jax
    _d = setup_inputs()
    print(jax.jit(kernel)(*tuple(_d.values())))

</pallas_src>

<mosaic_0001>
#map = affine_map<(d0, d1) -> (0, 0)>
#map1 = affine_map<(d0, d1) -> (0, 0, 0)>
module attributes {stable_mosaic.version = 14 : i64} {
  func.func @_sc_aggregate(%arg0: i32, %arg1: i32, %arg2: memref<10000x16xf32, #tpu.memory_space<hbm>>, %arg3: memref<32x80x128xi32, #tpu.memory_space<hbm>>, %arg4: memref<32x80x128xi32, #tpu.memory_space<hbm>>, %arg5: memref<10240x16xf32, #tpu.memory_space<hbm>>, %arg6: memref<2x10240x16xf32, #tpu.memory_space<hbm>>, %arg7: memref<80x128xi32, #tpu.memory_space<vmem>>, %arg8: memref<80x128xi32, #tpu.memory_space<vmem>>, %arg9: memref<4x128x16xf32, #tpu.memory_space<vmem>>, %arg10: memref<10240x16xf32, #tpu.memory_space<vmem_shared>>, %arg11: memref<!tpu.dma_semaphore, #tpu.memory_space<semaphore_mem>>, %arg12: memref<!tpu.dma_semaphore, #tpu.memory_space<semaphore_mem>>, %arg13: memref<!tpu.dma_semaphore, #tpu.memory_space<semaphore_mem>>, %arg14: memref<!tpu.dma_semaphore, #tpu.memory_space<semaphore_mem>>) attributes {dimension_semantics = [#tpu.dimension_semantics<core_parallel>, #tpu.dimension_semantics<subcore_parallel>], iteration_bounds = array<i64: 2, 16>, scalar_prefetch = 0 : i64, scratch_operands = 8 : i64, tpu.core_type = #tpu.core_type<sc_vector_subcore>, window_params = [{transform_indices = #map}, {transform_indices = #map1}, {transform_indices = #map1}, {transform_indices = #map}, {transform_indices = #map1}]} {
    %mul3A = arith.constant 2 : i32
    %mul3A_0 = arith.muli %arg1, %mul3A : i32
    %add3A = arith.addi %mul3A_0, %arg0 : i32
    "tpu.region"() ({
      %run_scoped3A = tpu.sem_alloc : memref<!tpu.dma_semaphore, #tpu.memory_space<semaphore_mem>>
      %dma_start3A_61 = arith.constant 0 : i32
      %dma_start3A_62 = arith.constant 0 : i32
      %dma_start3A_63 = tpu.memref_slice %arg3[%add3A, %dma_start3A_61, %dma_start3A_62] : memref<32x80x128xi32, #tpu.memory_space<hbm>> -> memref<1x80x128xi32, #tpu.memory_space<hbm>>
      %dma_start3A_64 = tpu.memref_squeeze %dma_start3A_63 : memref<1x80x128xi32, #tpu.memory_space<hbm>> -> memref<80x128xi32, #tpu.memory_space<hbm>>
      %dma_start3A_65 = arith.constant 0 : i32
      %dma_start3A_66 = arith.constant 0 : i32
      %dma_start3A_67 = tpu.memref_slice %arg3[%add3A, %dma_start3A_65, %dma_start3A_66] : memref<32x80x128xi32, #tpu.memory_space<hbm>> -> memref<1x80x128xi32, #tpu.memory_space<hbm>>
      %dma_start3A_68 = tpu.memref_squeeze %dma_start3A_67 : memref<1x80x128xi32, #tpu.memory_space<hbm>> -> memref<80x128xi32, #tpu.memory_space<hbm>>
      tpu.enqueue_dma source(%dma_start3A_68 : memref<80x128xi32, #tpu.memory_space<hbm>>) target(%arg7 : memref<80x128xi32, #tpu.memory_space<vmem>>) target_semaphore(%run_scoped3A : memref<!tpu.dma_semaphore, #tpu.memory_space<semaphore_mem>>)
      %dma_wait3A_69 = arith.constant 0 : i32
      %dma_wait3A_70 = arith.constant 0 : i32
      %dma_wait3A_71 = tpu.memref_slice %arg3[%add3A, %dma_wait3A_69, %dma_wait3A_70] : memref<32x80x128xi32, #tpu.memory_space<hbm>> -> memref<1x80x128xi32, #tpu.memory_space<hbm>>
      %dma_wait3A_72 = tpu.memref_squeeze %dma_wait3A_71 : memref<1x80x128xi32, #tpu.memory_space<hbm>> -> memref<80x128xi32, #tpu.memory_space<hbm>>
      %dma_wait3A_73 = arith.constant 0 : i32
      %dma_wait3A_74 = arith.constant 0 : i32
      %dma_wait3A_75 = tpu.memref_slice %arg3[%add3A, %dma_wait3A_73, %dma_wait3A_74] : memref<32x80x128xi32, #tpu.memory_space<hbm>> -> memref<1x80x128xi32, #tpu.memory_space<hbm>>
      %dma_wait3A_76 = tpu.memref_squeeze %dma_wait3A_75 : memref<1x80x128xi32, #tpu.memory_space<hbm>> -> memref<80x128xi32, #tpu.memory_space<hbm>>
      tpu.wait_dma2 semaphore(%run_scoped3A : memref<!tpu.dma_semaphore, #tpu.memory_space<semaphore_mem>>) src(%dma_wait3A_76 : memref<80x128xi32, #tpu.memory_space<hbm>>) dst(%arg7 : memref<80x128xi32, #tpu.memory_space<vmem>>)
      tpu.yield
    }) : () -> ()
    "tpu.region"() ({
      %run_scoped3A = tpu.sem_alloc : memref<!tpu.dma_semaphore, #tpu.memory_space<semaphore_mem>>
      %dma_start3A_61 = arith.constant 0 : i32
      %dma_start3A_62 = arith.constant 0 : i32
      %dma_start3A_63 = tpu.memref_slice %arg4[%add3A, %dma_start3A_61, %dma_start3A_62] : memref<32x80x128xi32, #tpu.memory_space<hbm>> -> memref<1x80x128xi32, #tpu.memory_space<hbm>>
      %dma_start3A_64 = tpu.memref_squeeze %dma_start3A_63 : memref<1x80x128xi32, #tpu.memory_space<hbm>> -> memref<80x128xi32, #tpu.memory_space<hbm>>
      %dma_start3A_65 = arith.constant 0 : i32
      %dma_start3A_66 = arith.constant 0 : i32
      %dma_start3A_67 = tpu.memref_slice %arg4[%add3A, %dma_start3A_65, %dma_start3A_66] : memref<32x80x128xi32, #tpu.memory_space<hbm>> -> memref<1x80x128xi32, #tpu.memory_space<hbm>>
      %dma_start3A_68 = tpu.memref_squeeze %dma_start3A_67 : memref<1x80x128xi32, #tpu.memory_space<hbm>> -> memref<80x128xi32, #tpu.memory_space<hbm>>
      tpu.enqueue_dma source(%dma_start3A_68 : memref<80x128xi32, #tpu.memory_space<hbm>>) target(%arg8 : memref<80x128xi32, #tpu.memory_space<vmem>>) target_semaphore(%run_scoped3A : memref<!tpu.dma_semaphore, #tpu.memory_space<semaphore_mem>>)
      %dma_wait3A_69 = arith.constant 0 : i32
      %dma_wait3A_70 = arith.constant 0 : i32
      %dma_wait3A_71 = tpu.memref_slice %arg4[%add3A, %dma_wait3A_69, %dma_wait3A_70] : memref<32x80x128xi32, #tpu.memory_space<hbm>> -> memref<1x80x128xi32, #tpu.memory_space<hbm>>
      %dma_wait3A_72 = tpu.memref_squeeze %dma_wait3A_71 : memref<1x80x128xi32, #tpu.memory_space<hbm>> -> memref<80x128xi32, #tpu.memory_space<hbm>>
      %dma_wait3A_73 = arith.constant 0 : i32
      %dma_wait3A_74 = arith.constant 0 : i32
      %dma_wait3A_75 = tpu.memref_slice %arg4[%add3A, %dma_wait3A_73, %dma_wait3A_74] : memref<32x80x128xi32, #tpu.memory_space<hbm>> -> memref<1x80x128xi32, #tpu.memory_space<hbm>>
      %dma_wait3A_76 = tpu.memref_squeeze %dma_wait3A_75 : memref<1x80x128xi32, #tpu.memory_space<hbm>> -> memref<80x128xi32, #tpu.memory_space<hbm>>
      tpu.wait_dma2 semaphore(%run_scoped3A : memref<!tpu.dma_semaphore, #tpu.memory_space<semaphore_mem>>) src(%dma_wait3A_76 : memref<80x128xi32, #tpu.memory_space<hbm>>) dst(%arg8 : memref<80x128xi32, #tpu.memory_space<vmem>>)
      tpu.yield
    }) : () -> ()
    %mul3A_1 = arith.constant 640 : i32
    %mul3A_2 = arith.muli %arg1, %mul3A_1 : i32
    %mul3A_3 = arith.constant 640 : i32
    %mul3A_4 = arith.muli %arg1, %mul3A_3 : i32
    "tpu.region"() ({
      %run_scoped3A = tpu.sem_alloc : memref<!tpu.dma_semaphore, #tpu.memory_space<semaphore_mem>>
      %dma_start3A_61 = arith.constant 0 : i32
      %dma_start3A_62 = tpu.memref_slice %arg10[%mul3A_4, %dma_start3A_61] : memref<10240x16xf32, #tpu.memory_space<vmem_shared>> -> memref<640x16xf32, #tpu.memory_space<vmem_shared>>
      %dma_start3A_63 = arith.constant 0 : i32
      %dma_start3A_64 = tpu.memref_slice %arg5[%mul3A_2, %dma_start3A_63] : memref<10240x16xf32, #tpu.memory_space<hbm>> -> memref<640x16xf32, #tpu.memory_space<hbm>>
      tpu.enqueue_dma source(%dma_start3A_64 : memref<640x16xf32, #tpu.memory_space<hbm>>) target(%dma_start3A_62 : memref<640x16xf32, #tpu.memory_space<vmem_shared>>) target_semaphore(%run_scoped3A : memref<!tpu.dma_semaphore, #tpu.memory_space<semaphore_mem>>)
      %dma_wait3A_65 = arith.constant 0 : i32
      %dma_wait3A_66 = tpu.memref_slice %arg10[%mul3A_4, %dma_wait3A_65] : memref<10240x16xf32, #tpu.memory_space<vmem_shared>> -> memref<640x16xf32, #tpu.memory_space<vmem_shared>>
      %dma_wait3A_67 = arith.constant 0 : i32
      %dma_wait3A_68 = tpu.memref_slice %arg5[%mul3A_2, %dma_wait3A_67] : memref<10240x16xf32, #tpu.memory_space<hbm>> -> memref<640x16xf32, #tpu.memory_space<hbm>>
      tpu.wait_dma2 semaphore(%run_scoped3A : memref<!tpu.dma_semaphore, #tpu.memory_space<semaphore_mem>>) src(%dma_wait3A_68 : memref<640x16xf32, #tpu.memory_space<hbm>>) dst(%dma_wait3A_66 : memref<640x16xf32, #tpu.memory_space<vmem_shared>>)
      tpu.yield
    }) : () -> ()
    %barrier3A = arith.constant 0 : index
    tpu.barrier barrier_id(%barrier3A)
    %dma_start3A = arith.constant 0 : i32
    %dma_start3A_5 = arith.constant 0 : i32
    %dma_start3A_6 = arith.constant 0 : i32
    %dma_start3A_7 = arith.constant 0 : i32
    %dma_start3A_8 = tpu.memref_slice %arg9[%dma_start3A_5, %dma_start3A_6, %dma_start3A_7] : memref<4x128x16xf32, #tpu.memory_space<vmem>> -> memref<1x128x16xf32, #tpu.memory_space<vmem>>
    %dma_start3A_9 = tpu.memref_squeeze %dma_start3A_8 : memref<1x128x16xf32, #tpu.memory_space<vmem>> -> memref<128x16xf32, #tpu.memory_space<vmem>>
    %dma_start3A_10 = arith.constant 0 : i32
    %dma_start3A_11 = tpu.memref_slice %arg7[%dma_start3A, %dma_start3A_10] : memref<80x128xi32, #tpu.memory_space<vmem>> -> memref<1x128xi32, #tpu.memory_space<vmem>>
    %dma_start3A_12 = tpu.memref_squeeze %dma_start3A_11 : memref<1x128xi32, #tpu.memory_space<vmem>> -> memref<128xi32, #tpu.memory_space<vmem>>
    %dma_start3A_13 = arith.constant 0 : i32
    %dma_start3A_14 = arith.constant 0 : i32
    %dma_start3A_15 = tpu.memref_slice %arg2[%dma_start3A_13, %dma_start3A_14] : memref<10000x16xf32, #tpu.memory_space<hbm>> -> memref<10000x16xf32, #tpu.memory_space<hbm>>
    tpu.enqueue_indirect_dma source(%dma_start3A_15 : memref<10000x16xf32, #tpu.memory_space<hbm>>) target(%dma_start3A_9 : memref<128x16xf32, #tpu.memory_space<vmem>>) offsets(%dma_start3A_12 : memref<128xi32, #tpu.memory_space<vmem>>) semaphore(%arg11 : memref<!tpu.dma_semaphore, #tpu.memory_space<semaphore_mem>>)
    %dma_start3A_16 = arith.constant 1 : i32
    %dma_start3A_17 = arith.constant 1 : i32
    %dma_start3A_18 = arith.constant 0 : i32
    %dma_start3A_19 = arith.constant 0 : i32
    %dma_start3A_20 = tpu.memref_slice %arg9[%dma_start3A_17, %dma_start3A_18, %dma_start3A_19] : memref<4x128x16xf32, #tpu.memory_space<vmem>> -> memref<1x128x16xf32, #tpu.memory_space<vmem>>
    %dma_start3A_21 = tpu.memref_squeeze %dma_start3A_20 : memref<1x128x16xf32, #tpu.memory_space<vmem>> -> memref<128x16xf32, #tpu.memory_space<vmem>>
    %dma_start3A_22 = arith.constant 0 : i32
    %dma_start3A_23 = tpu.memref_slice %arg7[%dma_start3A_16, %dma_start3A_22] : memref<80x128xi32, #tpu.memory_space<vmem>> -> memref<1x128xi32, #tpu.memory_space<vmem>>
    %dma_start3A_24 = tpu.memref_squeeze %dma_start3A_23 : memref<1x128xi32, #tpu.memory_space<vmem>> -> memref<128xi32, #tpu.memory_space<vmem>>
    %dma_start3A_25 = arith.constant 0 : i32
    %dma_start3A_26 = arith.constant 0 : i32
    %dma_start3A_27 = tpu.memref_slice %arg2[%dma_start3A_25, %dma_start3A_26] : memref<10000x16xf32, #tpu.memory_space<hbm>> -> memref<10000x16xf32, #tpu.memory_space<hbm>>
    tpu.enqueue_indirect_dma source(%dma_start3A_27 : memref<10000x16xf32, #tpu.memory_space<hbm>>) target(%dma_start3A_21 : memref<128x16xf32, #tpu.memory_space<vmem>>) offsets(%dma_start3A_24 : memref<128xi32, #tpu.memory_space<vmem>>) semaphore(%arg12 : memref<!tpu.dma_semaphore, #tpu.memory_space<semaphore_mem>>)
    %scan3A = arith.constant 0 : i32
    %scan3A_28 = arith.constant 0 : i32
    %scan3A_29 = arith.constant 20 : i32
    %scan3A_30 = arith.addi %scan3A_28, %scan3A_29 : i32
    %scan3A_31 = arith.constant 1 : i32
    scf.for %scan3A_61 = %scan3A_28 to %scan3A_30 step %scan3A_31  : i32 {
      %mul3A_62 = arith.constant 4 : i32
      %mul3A_63 = arith.muli %scan3A_61, %mul3A_62 : i32
      %add3A_64 = arith.constant 0 : i32
      %add3A_65 = arith.addi %mul3A_63, %add3A_64 : i32
      %dma_wait3A_66 = arith.constant 0 : i32
      %dma_wait3A_67 = arith.constant 0 : i32
      %dma_wait3A_68 = arith.constant 0 : i32
      %dma_wait3A_69 = tpu.memref_slice %arg9[%dma_wait3A_66, %dma_wait3A_67, %dma_wait3A_68] : memref<4x128x16xf32, #tpu.memory_space<vmem>> -> memref<1x128x16xf32, #tpu.memory_space<vmem>>
      %dma_wait3A_70 = tpu.memref_squeeze %dma_wait3A_69 : memref<1x128x16xf32, #tpu.memory_space<vmem>> -> memref<128x16xf32, #tpu.memory_space<vmem>>
      %dma_wait3A_71 = arith.constant 0 : i32
      %dma_wait3A_72 = tpu.memref_slice %arg7[%add3A_65, %dma_wait3A_71] : memref<80x128xi32, #tpu.memory_space<vmem>> -> memref<1x128xi32, #tpu.memory_space<vmem>>
      %dma_wait3A_73 = tpu.memref_squeeze %dma_wait3A_72 : memref<1x128xi32, #tpu.memory_space<vmem>> -> memref<128xi32, #tpu.memory_space<vmem>>
      %dma_wait3A_74 = arith.constant 0 : i32
      %dma_wait3A_75 = arith.constant 0 : i32
      %dma_wait3A_76 = tpu.memref_slice %arg2[%dma_wait3A_74, %dma_wait3A_75] : memref<10000x16xf32, #tpu.memory_space<hbm>> -> memref<10000x16xf32, #tpu.memory_space<hbm>>
      tpu.wait_indirect_dma semaphore(%arg11 : memref<!tpu.dma_semaphore, #tpu.memory_space<semaphore_mem>>) src(%dma_wait3A_76 : memref<10000x16xf32, #tpu.memory_space<hbm>>) dst(%dma_wait3A_70 : memref<128x16xf32, #tpu.memory_space<vmem>>)
      %dma_start3A_77 = arith.constant 0 : i32
      %dma_start3A_78 = arith.constant 0 : i32
      %dma_start3A_79 = arith.constant 0 : i32
      %dma_start3A_80 = tpu.memref_slice %arg9[%dma_start3A_77, %dma_start3A_78, %dma_start3A_79] : memref<4x128x16xf32, #tpu.memory_space<vmem>> -> memref<1x128x16xf32, #tpu.memory_space<vmem>>
      %dma_start3A_81 = tpu.memref_squeeze %dma_start3A_80 : memref<1x128x16xf32, #tpu.memory_space<vmem>> -> memref<128x16xf32, #tpu.memory_space<vmem>>
      %dma_start3A_82 = arith.constant 0 : i32
      %dma_start3A_83 = tpu.memref_slice %arg8[%add3A_65, %dma_start3A_82] : memref<80x128xi32, #tpu.memory_space<vmem>> -> memref<1x128xi32, #tpu.memory_space<vmem>>
      %dma_start3A_84 = tpu.memref_squeeze %dma_start3A_83 : memref<1x128xi32, #tpu.memory_space<vmem>> -> memref<128xi32, #tpu.memory_space<vmem>>
      %dma_start3A_85 = arith.constant 0 : i32
      %dma_start3A_86 = arith.constant 0 : i32
      %dma_start3A_87 = tpu.memref_slice %arg10[%dma_start3A_85, %dma_start3A_86] : memref<10240x16xf32, #tpu.memory_space<vmem_shared>> -> memref<10240x16xf32, #tpu.memory_space<vmem_shared>>
      tpu.enqueue_indirect_dma source(%dma_start3A_81 : memref<128x16xf32, #tpu.memory_space<vmem>>) target(%dma_start3A_87 : memref<10240x16xf32, #tpu.memory_space<vmem_shared>>) offsets(%dma_start3A_84 : memref<128xi32, #tpu.memory_space<vmem>>) semaphore(%arg11 : memref<!tpu.dma_semaphore, #tpu.memory_space<semaphore_mem>>) {add = true}
      %ge3A = arith.constant 2 : i32
      %ge3A_88 = arith.cmpi sge, %add3A_65, %ge3A : i32
      %convert_element_type3A = arith.extui %ge3A_88 : i1 to i32
      %cond3A = arith.constant 0 : i32
      %cond3A_89 = arith.cmpi ne, %convert_element_type3A, %cond3A : i32
      scf.if %cond3A_89 {
        %sub3A = arith.constant 2 : i32
        %sub3A_210 = arith.subi %add3A_65, %sub3A : i32
        %dma_wait3A_211 = arith.constant 2 : i32
        %dma_wait3A_212 = arith.constant 0 : i32
        %dma_wait3A_213 = arith.constant 0 : i32
        %dma_wait3A_214 = tpu.memref_slice %arg9[%dma_wait3A_211, %dma_wait3A_212, %dma_wait3A_213] : memref<4x128x16xf32, #tpu.memory_space<vmem>> -> memref<1x128x16xf32, #tpu.memory_space<vmem>>
        %dma_wait3A_215 = tpu.memref_squeeze %dma_wait3A_214 : memref<1x128x16xf32, #tpu.memory_space<vmem>> -> memref<128x16xf32, #tpu.memory_space<vmem>>
        %dma_wait3A_216 = arith.constant 0 : i32
        %dma_wait3A_217 = tpu.memref_slice %arg8[%sub3A_210, %dma_wait3A_216] : memref<80x128xi32, #tpu.memory_space<vmem>> -> memref<1x128xi32, #tpu.memory_space<vmem>>
        %dma_wait3A_218 = tpu.memref_squeeze %dma_wait3A_217 : memref<1x128xi32, #tpu.memory_space<vmem>> -> memref<128xi32, #tpu.memory_space<vmem>>
        %dma_wait3A_219 = arith.constant 0 : i32
        %dma_wait3A_220 = arith.constant 0 : i32
        %dma_wait3A_221 = tpu.memref_slice %arg10[%dma_wait3A_219, %dma_wait3A_220] : memref<10240x16xf32, #tpu.memory_space<vmem_shared>> -> memref<10240x16xf32, #tpu.memory_space<vmem_shared>>
        tpu.wait_indirect_dma semaphore(%arg13 : memref<!tpu.dma_semaphore, #tpu.memory_space<semaphore_mem>>) src(%dma_wait3A_215 : memref<128x16xf32, #tpu.memory_space<vmem>>) dst(%dma_wait3A_221 : memref<10240x16xf32, #tpu.memory_space<vmem_shared>>)
      } else {
      }
      %add3A_90 = arith.constant 2 : i32
      %add3A_91 = arith.addi %add3A_65, %add3A_90 : i32
      %lt3A = arith.constant 80 : i32
      %lt3A_92 = arith.cmpi slt, %add3A_91, %lt3A : i32
      %convert_element_type3A_93 = arith.extui %lt3A_92 : i1 to i32
      %cond3A_94 = arith.constant 0 : i32
      %cond3A_95 = arith.cmpi ne, %convert_element_type3A_93, %cond3A_94 : i32
      scf.if %cond3A_95 {
        %add3A_210 = arith.constant 2 : i32
        %add3A_211 = arith.addi %add3A_65, %add3A_210 : i32
        %dma_start3A_212 = arith.constant 2 : i32
        %dma_start3A_213 = arith.constant 0 : i32
        %dma_start3A_214 = arith.constant 0 : i32
        %dma_start3A_215 = tpu.memref_slice %arg9[%dma_start3A_212, %dma_start3A_213, %dma_start3A_214] : memref<4x128x16xf32, #tpu.memory_space<vmem>> -> memref<1x128x16xf32, #tpu.memory_space<vmem>>
        %dma_start3A_216 = tpu.memref_squeeze %dma_start3A_215 : memref<1x128x16xf32, #tpu.memory_space<vmem>> -> memref<128x16xf32, #tpu.memory_space<vmem>>
        %dma_start3A_217 = arith.constant 0 : i32
        %dma_start3A_218 = tpu.memref_slice %arg7[%add3A_211, %dma_start3A_217] : memref<80x128xi32, #tpu.memory_space<vmem>> -> memref<1x128xi32, #tpu.memory_space<vmem>>
        %dma_start3A_219 = tpu.memref_squeeze %dma_start3A_218 : memref<1x128xi32, #tpu.memory_space<vmem>> -> memref<128xi32, #tpu.memory_space<vmem>>
        %dma_start3A_220 = arith.constant 0 : i32
        %dma_start3A_221 = arith.constant 0 : i32
        %dma_start3A_222 = tpu.memref_slice %arg2[%dma_start3A_220, %dma_start3A_221] : memref<10000x16xf32, #tpu.memory_space<hbm>> -> memref<10000x16xf32, #tpu.memory_space<hbm>>
        tpu.enqueue_indirect_dma source(%dma_start3A_222 : memref<10000x16xf32, #tpu.memory_space<hbm>>) target(%dma_start3A_216 : memref<128x16xf32, #tpu.memory_space<vmem>>) offsets(%dma_start3A_219 : memref<128xi32, #tpu.memory_space<vmem>>) semaphore(%arg13 : memref<!tpu.dma_semaphore, #tpu.memory_space<semaphore_mem>>)
      } else {
      }
      %mul3A_96 = arith.constant 4 : i32
      %mul3A_97 = arith.muli %scan3A_61, %mul3A_96 : i32
      %add3A_98 = arith.constant 1 : i32
      %add3A_99 = arith.addi %mul3A_97, %add3A_98 : i32
      %dma_wait3A_100 = arith.constant 1 : i32
      %dma_wait3A_101 = arith.constant 0 : i32
      %dma_wait3A_102 = arith.constant 0 : i32
      %dma_wait3A_103 = tpu.memref_slice %arg9[%dma_wait3A_100, %dma_wait3A_101, %dma_wait3A_102] : memref<4x128x16xf32, #tpu.memory_space<vmem>> -> memref<1x128x16xf32, #tpu.memory_space<vmem>>
      %dma_wait3A_104 = tpu.memref_squeeze %dma_wait3A_103 : memref<1x128x16xf32, #tpu.memory_space<vmem>> -> memref<128x16xf32, #tpu.memory_space<vmem>>
      %dma_wait3A_105 = arith.constant 0 : i32
      %dma_wait3A_106 = tpu.memref_slice %arg7[%add3A_99, %dma_wait3A_105] : memref<80x128xi32, #tpu.memory_space<vmem>> -> memref<1x128xi32, #tpu.memory_space<vmem>>
      %dma_wait3A_107 = tpu.memref_squeeze %dma_wait3A_106 : memref<1x128xi32, #tpu.memory_space<vmem>> -> memref<128xi32, #tpu.memory_space<vmem>>
      %dma_wait3A_108 = arith.constant 0 : i32
      %dma_wait3A_109 = arith.constant 0 : i32
      %dma_wait3A_110 = tpu.memref_slice %arg2[%dma_wait3A_108, %dma_wait3A_109] : memref<10000x16xf32, #tpu.memory_space<hbm>> -> memref<10000x16xf32, #tpu.memory_space<hbm>>
      tpu.wait_indirect_dma semaphore(%arg12 : memref<!tpu.dma_semaphore, #tpu.memory_space<semaphore_mem>>) src(%dma_wait3A_110 : memref<10000x16xf32, #tpu.memory_space<hbm>>) dst(%dma_wait3A_104 : memref<128x16xf32, #tpu.memory_space<vmem>>)
      %dma_start3A_111 = arith.constant 1 : i32
      %dma_start3A_112 = arith.constant 0 : i32
      %dma_start3A_113 = arith.constant 0 : i32
      %dma_start3A_114 = tpu.memref_slice %arg9[%dma_start3A_111, %dma_start3A_112, %dma_start3A_113] : memref<4x128x16xf32, #tpu.memory_space<vmem>> -> memref<1x128x16xf32, #tpu.memory_space<vmem>>
      %dma_start3A_115 = tpu.memref_squeeze %dma_start3A_114 : memref<1x128x16xf32, #tpu.memory_space<vmem>> -> memref<128x16xf32, #tpu.memory_space<vmem>>
      %dma_start3A_116 = arith.constant 0 : i32
      %dma_start3A_117 = tpu.memref_slice %arg8[%add3A_99, %dma_start3A_116] : memref<80x128xi32, #tpu.memory_space<vmem>> -> memref<1x128xi32, #tpu.memory_space<vmem>>
      %dma_start3A_118 = tpu.memref_squeeze %dma_start3A_117 : memref<1x128xi32, #tpu.memory_space<vmem>> -> memref<128xi32, #tpu.memory_space<vmem>>
      %dma_start3A_119 = arith.constant 0 : i32
      %dma_start3A_120 = arith.constant 0 : i32
      %dma_start3A_121 = tpu.memref_slice %arg10[%dma_start3A_119, %dma_start3A_120] : memref<10240x16xf32, #tpu.memory_space<vmem_shared>> -> memref<10240x16xf32, #tpu.memory_space<vmem_shared>>
      tpu.enqueue_indirect_dma source(%dma_start3A_115 : memref<128x16xf32, #tpu.memory_space<vmem>>) target(%dma_start3A_121 : memref<10240x16xf32, #tpu.memory_space<vmem_shared>>) offsets(%dma_start3A_118 : memref<128xi32, #tpu.memory_space<vmem>>) semaphore(%arg12 : memref<!tpu.dma_semaphore, #tpu.memory_space<semaphore_mem>>) {add = true}
      %ge3A_122 = arith.constant 2 : i32
      %ge3A_123 = arith.cmpi sge, %add3A_99, %ge3A_122 : i32
      %convert_element_type3A_124 = arith.extui %ge3A_123 : i1 to i32
      %cond3A_125 = arith.constant 0 : i32
      %cond3A_126 = arith.cmpi ne, %convert_element_type3A_124, %cond3A_125 : i32
      scf.if %cond3A_126 {
        %sub3A = arith.constant 2 : i32
        %sub3A_210 = arith.subi %add3A_99, %sub3A : i32
        %dma_wait3A_211 = arith.constant 3 : i32
        %dma_wait3A_212 = arith.constant 0 : i32
        %dma_wait3A_213 = arith.constant 0 : i32
        %dma_wait3A_214 = tpu.memref_slice %arg9[%dma_wait3A_211, %dma_wait3A_212, %dma_wait3A_213] : memref<4x128x16xf32, #tpu.memory_space<vmem>> -> memref<1x128x16xf32, #tpu.memory_space<vmem>>
        %dma_wait3A_215 = tpu.memref_squeeze %dma_wait3A_214 : memref<1x128x16xf32, #tpu.memory_space<vmem>> -> memref<128x16xf32, #tpu.memory_space<vmem>>
        %dma_wait3A_216 = arith.constant 0 : i32
        %dma_wait3A_217 = tpu.memref_slice %arg8[%sub3A_210, %dma_wait3A_216] : memref<80x128xi32, #tpu.memory_space<vmem>> -> memref<1x128xi32, #tpu.memory_space<vmem>>
        %dma_wait3A_218 = tpu.memref_squeeze %dma_wait3A_217 : memref<1x128xi32, #tpu.memory_space<vmem>> -> memref<128xi32, #tpu.memory_space<vmem>>
        %dma_wait3A_219 = arith.constant 0 : i32
        %dma_wait3A_220 = arith.constant 0 : i32
        %dma_wait3A_221 = tpu.memref_slice %arg10[%dma_wait3A_219, %dma_wait3A_220] : memref<10240x16xf32, #tpu.memory_space<vmem_shared>> -> memref<10240x16xf32, #tpu.memory_space<vmem_shared>>
        tpu.wait_indirect_dma semaphore(%arg14 : memref<!tpu.dma_semaphore, #tpu.memory_space<semaphore_mem>>) src(%dma_wait3A_215 : memref<128x16xf32, #tpu.memory_space<vmem>>) dst(%dma_wait3A_221 : memref<10240x16xf32, #tpu.memory_space<vmem_shared>>)
      } else {
      }
      %add3A_127 = arith.constant 2 : i32
      %add3A_128 = arith.addi %add3A_99, %add3A_127 : i32
      %lt3A_129 = arith.constant 80 : i32
      %lt3A_130 = arith.cmpi slt, %add3A_128, %lt3A_129 : i32
      %convert_element_type3A_131 = arith.extui %lt3A_130 : i1 to i32
      %cond3A_132 = arith.constant 0 : i32
      %cond3A_133 = arith.cmpi ne, %convert_element_type3A_131, %cond3A_132 : i32
      scf.if %cond3A_133 {
        %add3A_210 = arith.constant 2 : i32
        %add3A_211 = arith.addi %add3A_99, %add3A_210 : i32
        %dma_start3A_212 = arith.constant 3 : i32
        %dma_start3A_213 = arith.constant 0 : i32
        %dma_start3A_214 = arith.constant 0 : i32
        %dma_start3A_215 = tpu.memref_slice %arg9[%dma_start3A_212, %dma_start3A_213, %dma_start3A_214] : memref<4x128x16xf32, #tpu.memory_space<vmem>> -> memref<1x128x16xf32, #tpu.memory_space<vmem>>
        %dma_start3A_216 = tpu.memref_squeeze %dma_start3A_215 : memref<1x128x16xf32, #tpu.memory_space<vmem>> -> memref<128x16xf32, #tpu.memory_space<vmem>>
        %dma_start3A_217 = arith.constant 0 : i32
        %dma_start3A_218 = tpu.memref_slice %arg7[%add3A_211, %dma_start3A_217] : memref<80x128xi32, #tpu.memory_space<vmem>> -> memref<1x128xi32, #tpu.memory_space<vmem>>
        %dma_start3A_219 = tpu.memref_squeeze %dma_start3A_218 : memref<1x128xi32, #tpu.memory_space<vmem>> -> memref<128xi32, #tpu.memory_space<vmem>>
        %dma_start3A_220 = arith.constant 0 : i32
        %dma_start3A_221 = arith.constant 0 : i32
        %dma_start3A_222 = tpu.memref_slice %arg2[%dma_start3A_220, %dma_start3A_221] : memref<10000x16xf32, #tpu.memory_space<hbm>> -> memref<10000x16xf32, #tpu.memory_space<hbm>>
        tpu.enqueue_indirect_dma source(%dma_start3A_222 : memref<10000x16xf32, #tpu.memory_space<hbm>>) target(%dma_start3A_216 : memref<128x16xf32, #tpu.memory_space<vmem>>) offsets(%dma_start3A_219 : memref<128xi32, #tpu.memory_space<vmem>>) semaphore(%arg14 : memref<!tpu.dma_semaphore, #tpu.memory_space<semaphore_mem>>)
      } else {
      }
      %mul3A_134 = arith.constant 4 : i32
      %mul3A_135 = arith.muli %scan3A_61, %mul3A_134 : i32
      %add3A_136 = arith.constant 2 : i32
      %add3A_137 = arith.addi %mul3A_135, %add3A_136 : i32
      %dma_wait3A_138 = arith.constant 2 : i32
      %dma_wait3A_139 = arith.constant 0 : i32
      %dma_wait3A_140 = arith.constant 0 : i32
      %dma_wait3A_141 = tpu.memref_slice %arg9[%dma_wait3A_138, %dma_wait3A_139, %dma_wait3A_140] : memref<4x128x16xf32, #tpu.memory_space<vmem>> -> memref<1x128x16xf32, #tpu.memory_space<vmem>>
      %dma_wait3A_142 = tpu.memref_squeeze %dma_wait3A_141 : memref<1x128x16xf32, #tpu.memory_space<vmem>> -> memref<128x16xf32, #tpu.memory_space<vmem>>
      %dma_wait3A_143 = arith.constant 0 : i32
      %dma_wait3A_144 = tpu.memref_slice %arg7[%add3A_137, %dma_wait3A_143] : memref<80x128xi32, #tpu.memory_space<vmem>> -> memref<1x128xi32, #tpu.memory_space<vmem>>
      %dma_wait3A_145 = tpu.memref_squeeze %dma_wait3A_144 : memref<1x128xi32, #tpu.memory_space<vmem>> -> memref<128xi32, #tpu.memory_space<vmem>>
      %dma_wait3A_146 = arith.constant 0 : i32
      %dma_wait3A_147 = arith.constant 0 : i32
      %dma_wait3A_148 = tpu.memref_slice %arg2[%dma_wait3A_146, %dma_wait3A_147] : memref<10000x16xf32, #tpu.memory_space<hbm>> -> memref<10000x16xf32, #tpu.memory_space<hbm>>
      tpu.wait_indirect_dma semaphore(%arg13 : memref<!tpu.dma_semaphore, #tpu.memory_space<semaphore_mem>>) src(%dma_wait3A_148 : memref<10000x16xf32, #tpu.memory_space<hbm>>) dst(%dma_wait3A_142 : memref<128x16xf32, #tpu.memory_space<vmem>>)
      %dma_start3A_149 = arith.constant 2 : i32
      %dma_start3A_150 = arith.constant 0 : i32
      %dma_start3A_151 = arith.constant 0 : i32
      %dma_start3A_152 = tpu.memref_slice %arg9[%dma_start3A_149, %dma_start3A_150, %dma_start3A_151] : memref<4x128x16xf32, #tpu.memory_space<vmem>> -> memref<1x128x16xf32, #tpu.memory_space<vmem>>
      %dma_start3A_153 = tpu.memref_squeeze %dma_start3A_152 : memref<1x128x16xf32, #tpu.memory_space<vmem>> -> memref<128x16xf32, #tpu.memory_space<vmem>>
      %dma_start3A_154 = arith.constant 0 : i32
      %dma_start3A_155 = tpu.memref_slice %arg8[%add3A_137, %dma_start3A_154] : memref<80x128xi32, #tpu.memory_space<vmem>> -> memref<1x128xi32, #tpu.memory_space<vmem>>
      %dma_start3A_156 = tpu.memref_squeeze %dma_start3A_155 : memref<1x128xi32, #tpu.memory_space<vmem>> -> memref<128xi32, #tpu.memory_space<vmem>>
      %dma_start3A_157 = arith.constant 0 : i32
      %dma_start3A_158 = arith.constant 0 : i32
      %dma_start3A_159 = tpu.memref_slice %arg10[%dma_start3A_157, %dma_start3A_158] : memref<10240x16xf32, #tpu.memory_space<vmem_shared>> -> memref<10240x16xf32, #tpu.memory_space<vmem_shared>>
      tpu.enqueue_indirect_dma source(%dma_start3A_153 : memref<128x16xf32, #tpu.memory_space<vmem>>) target(%dma_start3A_159 : memref<10240x16xf32, #tpu.memory_space<vmem_shared>>) offsets(%dma_start3A_156 : memref<128xi32, #tpu.memory_space<vmem>>) semaphore(%arg13 : memref<!tpu.dma_semaphore, #tpu.memory_space<semaphore_mem>>) {add = true}
      %ge3A_160 = arith.constant 2 : i32
      %ge3A_161 = arith.cmpi sge, %add3A_137, %ge3A_160 : i32
      %convert_element_type3A_162 = arith.extui %ge3A_161 : i1 to i32
      %cond3A_163 = arith.constant 0 : i32
      %cond3A_164 = arith.cmpi ne, %convert_element_type3A_162, %cond3A_163 : i32
      scf.if %cond3A_164 {
        %sub3A = arith.constant 2 : i32
        %sub3A_210 = arith.subi %add3A_137, %sub3A : i32
        %dma_wait3A_211 = arith.constant 0 : i32
        %dma_wait3A_212 = arith.constant 0 : i32
        %dma_wait3A_213 = arith.constant 0 : i32
        %dma_wait3A_214 = tpu.memref_slice %arg9[%dma_wait3A_211, %dma_wait3A_212, %dma_wait3A_213] : memref<4x128x16xf32, #tpu.memory_space<vmem>> -> memref<1x128x16xf32, #tpu.memory_space<vmem>>
        %dma_wait3A_215 = tpu.memref_squeeze %dma_wait3A_214 : memref<1x128x16xf32, #tpu.memory_space<vmem>> -> memref<128x16xf32, #tpu.memory_space<vmem>>
        %dma_wait3A_216 = arith.constant 0 : i32
        %dma_wait3A_217 = tpu.memref_slice %arg8[%sub3A_210, %dma_wait3A_216] : memref<80x128xi32, #tpu.memory_space<vmem>> -> memref<1x128xi32, #tpu.memory_space<vmem>>
        %dma_wait3A_218 = tpu.memref_squeeze %dma_wait3A_217 : memref<1x128xi32, #tpu.memory_space<vmem>> -> memref<128xi32, #tpu.memory_space<vmem>>
        %dma_wait3A_219 = arith.constant 0 : i32
        %dma_wait3A_220 = arith.constant 0 : i32
        %dma_wait3A_221 = tpu.memref_slice %arg10[%dma_wait3A_219, %dma_wait3A_220] : memref<10240x16xf32, #tpu.memory_space<vmem_shared>> -> memref<10240x16xf32, #tpu.memory_space<vmem_shared>>
        tpu.wait_indirect_dma semaphore(%arg11 : memref<!tpu.dma_semaphore, #tpu.memory_space<semaphore_mem>>) src(%dma_wait3A_215 : memref<128x16xf32, #tpu.memory_space<vmem>>) dst(%dma_wait3A_221 : memref<10240x16xf32, #tpu.memory_space<vmem_shared>>)
      } else {
      }
      %add3A_165 = arith.constant 2 : i32
      %add3A_166 = arith.addi %add3A_137, %add3A_165 : i32
      %lt3A_167 = arith.constant 80 : i32
      %lt3A_168 = arith.cmpi slt, %add3A_166, %lt3A_167 : i32
      %convert_element_type3A_169 = arith.extui %lt3A_168 : i1 to i32
      %cond3A_170 = arith.constant 0 : i32
      %cond3A_171 = arith.cmpi ne, %convert_element_type3A_169, %cond3A_170 : i32
      scf.if %cond3A_171 {
        %add3A_210 = arith.constant 2 : i32
        %add3A_211 = arith.addi %add3A_137, %add3A_210 : i32
        %dma_start3A_212 = arith.constant 0 : i32
        %dma_start3A_213 = arith.constant 0 : i32
        %dma_start3A_214 = arith.constant 0 : i32
        %dma_start3A_215 = tpu.memref_slice %arg9[%dma_start3A_212, %dma_start3A_213, %dma_start3A_214] : memref<4x128x16xf32, #tpu.memory_space<vmem>> -> memref<1x128x16xf32, #tpu.memory_space<vmem>>
        %dma_start3A_216 = tpu.memref_squeeze %dma_start3A_215 : memref<1x128x16xf32, #tpu.memory_space<vmem>> -> memref<128x16xf32, #tpu.memory_space<vmem>>
        %dma_start3A_217 = arith.constant 0 : i32
        %dma_start3A_218 = tpu.memref_slice %arg7[%add3A_211, %dma_start3A_217] : memref<80x128xi32, #tpu.memory_space<vmem>> -> memref<1x128xi32, #tpu.memory_space<vmem>>
        %dma_start3A_219 = tpu.memref_squeeze %dma_start3A_218 : memref<1x128xi32, #tpu.memory_space<vmem>> -> memref<128xi32, #tpu.memory_space<vmem>>
        %dma_start3A_220 = arith.constant 0 : i32
        %dma_start3A_221 = arith.constant 0 : i32
        %dma_start3A_222 = tpu.memref_slice %arg2[%dma_start3A_220, %dma_start3A_221] : memref<10000x16xf32, #tpu.memory_space<hbm>> -> memref<10000x16xf32, #tpu.memory_space<hbm>>
        tpu.enqueue_indirect_dma source(%dma_start3A_222 : memref<10000x16xf32, #tpu.memory_space<hbm>>) target(%dma_start3A_216 : memref<128x16xf32, #tpu.memory_space<vmem>>) offsets(%dma_start3A_219 : memref<128xi32, #tpu.memory_space<vmem>>) semaphore(%arg11 : memref<!tpu.dma_semaphore, #tpu.memory_space<semaphore_mem>>)
      } else {
      }
      %mul3A_172 = arith.constant 4 : i32
      %mul3A_173 = arith.muli %scan3A_61, %mul3A_172 : i32
      %add3A_174 = arith.constant 3 : i32
      %add3A_175 = arith.addi %mul3A_173, %add3A_174 : i32
      %dma_wait3A_176 = arith.constant 3 : i32
      %dma_wait3A_177 = arith.constant 0 : i32
      %dma_wait3A_178 = arith.constant 0 : i32
      %dma_wait3A_179 = tpu.memref_slice %arg9[%dma_wait3A_176, %dma_wait3A_177, %dma_wait3A_178] : memref<4x128x16xf32, #tpu.memory_space<vmem>> -> memref<1x128x16xf32, #tpu.memory_space<vmem>>
      %dma_wait3A_180 = tpu.memref_squeeze %dma_wait3A_179 : memref<1x128x16xf32, #tpu.memory_space<vmem>> -> memref<128x16xf32, #tpu.memory_space<vmem>>
      %dma_wait3A_181 = arith.constant 0 : i32
      %dma_wait3A_182 = tpu.memref_slice %arg7[%add3A_175, %dma_wait3A_181] : memref<80x128xi32, #tpu.memory_space<vmem>> -> memref<1x128xi32, #tpu.memory_space<vmem>>
      %dma_wait3A_183 = tpu.memref_squeeze %dma_wait3A_182 : memref<1x128xi32, #tpu.memory_space<vmem>> -> memref<128xi32, #tpu.memory_space<vmem>>
      %dma_wait3A_184 = arith.constant 0 : i32
      %dma_wait3A_185 = arith.constant 0 : i32
      %dma_wait3A_186 = tpu.memref_slice %arg2[%dma_wait3A_184, %dma_wait3A_185] : memref<10000x16xf32, #tpu.memory_space<hbm>> -> memref<10000x16xf32, #tpu.memory_space<hbm>>
      tpu.wait_indirect_dma semaphore(%arg14 : memref<!tpu.dma_semaphore, #tpu.memory_space<semaphore_mem>>) src(%dma_wait3A_186 : memref<10000x16xf32, #tpu.memory_space<hbm>>) dst(%dma_wait3A_180 : memref<128x16xf32, #tpu.memory_space<vmem>>)
      %dma_start3A_187 = arith.constant 3 : i32
      %dma_start3A_188 = arith.constant 0 : i32
      %dma_start3A_189 = arith.constant 0 : i32
      %dma_start3A_190 = tpu.memref_slice %arg9[%dma_start3A_187, %dma_start3A_188, %dma_start3A_189] : memref<4x128x16xf32, #tpu.memory_space<vmem>> -> memref<1x128x16xf32, #tpu.memory_space<vmem>>
      %dma_start3A_191 = tpu.memref_squeeze %dma_start3A_190 : memref<1x128x16xf32, #tpu.memory_space<vmem>> -> memref<128x16xf32, #tpu.memory_space<vmem>>
      %dma_start3A_192 = arith.constant 0 : i32
      %dma_start3A_193 = tpu.memref_slice %arg8[%add3A_175, %dma_start3A_192] : memref<80x128xi32, #tpu.memory_space<vmem>> -> memref<1x128xi32, #tpu.memory_space<vmem>>
      %dma_start3A_194 = tpu.memref_squeeze %dma_start3A_193 : memref<1x128xi32, #tpu.memory_space<vmem>> -> memref<128xi32, #tpu.memory_space<vmem>>
      %dma_start3A_195 = arith.constant 0 : i32
      %dma_start3A_196 = arith.constant 0 : i32
      %dma_start3A_197 = tpu.memref_slice %arg10[%dma_start3A_195, %dma_start3A_196] : memref<10240x16xf32, #tpu.memory_space<vmem_shared>> -> memref<10240x16xf32, #tpu.memory_space<vmem_shared>>
      tpu.enqueue_indirect_dma source(%dma_start3A_191 : memref<128x16xf32, #tpu.memory_space<vmem>>) target(%dma_start3A_197 : memref<10240x16xf32, #tpu.memory_space<vmem_shared>>) offsets(%dma_start3A_194 : memref<128xi32, #tpu.memory_space<vmem>>) semaphore(%arg14 : memref<!tpu.dma_semaphore, #tpu.memory_space<semaphore_mem>>) {add = true}
      %ge3A_198 = arith.constant 2 : i32
      %ge3A_199 = arith.cmpi sge, %add3A_175, %ge3A_198 : i32
      %convert_element_type3A_200 = arith.extui %ge3A_199 : i1 to i32
      %cond3A_201 = arith.constant 0 : i32
      %cond3A_202 = arith.cmpi ne, %convert_element_type3A_200, %cond3A_201 : i32
      scf.if %cond3A_202 {
        %sub3A = arith.constant 2 : i32
        %sub3A_210 = arith.subi %add3A_175, %sub3A : i32
        %dma_wait3A_211 = arith.constant 1 : i32
        %dma_wait3A_212 = arith.constant 0 : i32
        %dma_wait3A_213 = arith.constant 0 : i32
        %dma_wait3A_214 = tpu.memref_slice %arg9[%dma_wait3A_211, %dma_wait3A_212, %dma_wait3A_213] : memref<4x128x16xf32, #tpu.memory_space<vmem>> -> memref<1x128x16xf32, #tpu.memory_space<vmem>>
        %dma_wait3A_215 = tpu.memref_squeeze %dma_wait3A_214 : memref<1x128x16xf32, #tpu.memory_space<vmem>> -> memref<128x16xf32, #tpu.memory_space<vmem>>
        %dma_wait3A_216 = arith.constant 0 : i32
        %dma_wait3A_217 = tpu.memref_slice %arg8[%sub3A_210, %dma_wait3A_216] : memref<80x128xi32, #tpu.memory_space<vmem>> -> memref<1x128xi32, #tpu.memory_space<vmem>>
        %dma_wait3A_218 = tpu.memref_squeeze %dma_wait3A_217 : memref<1x128xi32, #tpu.memory_space<vmem>> -> memref<128xi32, #tpu.memory_space<vmem>>
        %dma_wait3A_219 = arith.constant 0 : i32
        %dma_wait3A_220 = arith.constant 0 : i32
        %dma_wait3A_221 = tpu.memref_slice %arg10[%dma_wait3A_219, %dma_wait3A_220] : memref<10240x16xf32, #tpu.memory_space<vmem_shared>> -> memref<10240x16xf32, #tpu.memory_space<vmem_shared>>
        tpu.wait_indirect_dma semaphore(%arg12 : memref<!tpu.dma_semaphore, #tpu.memory_space<semaphore_mem>>) src(%dma_wait3A_215 : memref<128x16xf32, #tpu.memory_space<vmem>>) dst(%dma_wait3A_221 : memref<10240x16xf32, #tpu.memory_space<vmem_shared>>)
      } else {
      }
      %add3A_203 = arith.constant 2 : i32
      %add3A_204 = arith.addi %add3A_175, %add3A_203 : i32
      %lt3A_205 = arith.constant 80 : i32
      %lt3A_206 = arith.cmpi slt, %add3A_204, %lt3A_205 : i32
      %convert_element_type3A_207 = arith.extui %lt3A_206 : i1 to i32
      %cond3A_208 = arith.constant 0 : i32
      %cond3A_209 = arith.cmpi ne, %convert_element_type3A_207, %cond3A_208 : i32
      scf.if %cond3A_209 {
        %add3A_210 = arith.constant 2 : i32
        %add3A_211 = arith.addi %add3A_175, %add3A_210 : i32
        %dma_start3A_212 = arith.constant 1 : i32
        %dma_start3A_213 = arith.constant 0 : i32
        %dma_start3A_214 = arith.constant 0 : i32
        %dma_start3A_215 = tpu.memref_slice %arg9[%dma_start3A_212, %dma_start3A_213, %dma_start3A_214] : memref<4x128x16xf32, #tpu.memory_space<vmem>> -> memref<1x128x16xf32, #tpu.memory_space<vmem>>
        %dma_start3A_216 = tpu.memref_squeeze %dma_start3A_215 : memref<1x128x16xf32, #tpu.memory_space<vmem>> -> memref<128x16xf32, #tpu.memory_space<vmem>>
        %dma_start3A_217 = arith.constant 0 : i32
        %dma_start3A_218 = tpu.memref_slice %arg7[%add3A_211, %dma_start3A_217] : memref<80x128xi32, #tpu.memory_space<vmem>> -> memref<1x128xi32, #tpu.memory_space<vmem>>
        %dma_start3A_219 = tpu.memref_squeeze %dma_start3A_218 : memref<1x128xi32, #tpu.memory_space<vmem>> -> memref<128xi32, #tpu.memory_space<vmem>>
        %dma_start3A_220 = arith.constant 0 : i32
        %dma_start3A_221 = arith.constant 0 : i32
        %dma_start3A_222 = tpu.memref_slice %arg2[%dma_start3A_220, %dma_start3A_221] : memref<10000x16xf32, #tpu.memory_space<hbm>> -> memref<10000x16xf32, #tpu.memory_space<hbm>>
        tpu.enqueue_indirect_dma source(%dma_start3A_222 : memref<10000x16xf32, #tpu.memory_space<hbm>>) target(%dma_start3A_216 : memref<128x16xf32, #tpu.memory_space<vmem>>) offsets(%dma_start3A_219 : memref<128xi32, #tpu.memory_space<vmem>>) semaphore(%arg12 : memref<!tpu.dma_semaphore, #tpu.memory_space<semaphore_mem>>)
      } else {
      }
    }
    %scan3A_32 = arith.constant 20 : i32
    %dma_wait3A = arith.constant 2 : i32
    %dma_wait3A_33 = arith.constant 78 : i32
    %dma_wait3A_34 = arith.constant 0 : i32
    %dma_wait3A_35 = arith.constant 0 : i32
    %dma_wait3A_36 = tpu.memref_slice %arg9[%dma_wait3A, %dma_wait3A_34, %dma_wait3A_35] : memref<4x128x16xf32, #tpu.memory_space<vmem>> -> memref<1x128x16xf32, #tpu.memory_space<vmem>>
    %dma_wait3A_37 = tpu.memref_squeeze %dma_wait3A_36 : memref<1x128x16xf32, #tpu.memory_space<vmem>> -> memref<128x16xf32, #tpu.memory_space<vmem>>
    %dma_wait3A_38 = arith.constant 0 : i32
    %dma_wait3A_39 = tpu.memref_slice %arg8[%dma_wait3A_33, %dma_wait3A_38] : memref<80x128xi32, #tpu.memory_space<vmem>> -> memref<1x128xi32, #tpu.memory_space<vmem>>
    %dma_wait3A_40 = tpu.memref_squeeze %dma_wait3A_39 : memref<1x128xi32, #tpu.memory_space<vmem>> -> memref<128xi32, #tpu.memory_space<vmem>>
    %dma_wait3A_41 = arith.constant 0 : i32
    %dma_wait3A_42 = arith.constant 0 : i32
    %dma_wait3A_43 = tpu.memref_slice %arg10[%dma_wait3A_41, %dma_wait3A_42] : memref<10240x16xf32, #tpu.memory_space<vmem_shared>> -> memref<10240x16xf32, #tpu.memory_space<vmem_shared>>
    tpu.wait_indirect_dma semaphore(%arg13 : memref<!tpu.dma_semaphore, #tpu.memory_space<semaphore_mem>>) src(%dma_wait3A_37 : memref<128x16xf32, #tpu.memory_space<vmem>>) dst(%dma_wait3A_43 : memref<10240x16xf32, #tpu.memory_space<vmem_shared>>)
    %dma_wait3A_44 = arith.constant 3 : i32
    %dma_wait3A_45 = arith.constant 79 : i32
    %dma_wait3A_46 = arith.constant 0 : i32
    %dma_wait3A_47 = arith.constant 0 : i32
    %dma_wait3A_48 = tpu.memref_slice %arg9[%dma_wait3A_44, %dma_wait3A_46, %dma_wait3A_47] : memref<4x128x16xf32, #tpu.memory_space<vmem>> -> memref<1x128x16xf32, #tpu.memory_space<vmem>>
    %dma_wait3A_49 = tpu.memref_squeeze %dma_wait3A_48 : memref<1x128x16xf32, #tpu.memory_space<vmem>> -> memref<128x16xf32, #tpu.memory_space<vmem>>
    %dma_wait3A_50 = arith.constant 0 : i32
    %dma_wait3A_51 = tpu.memref_slice %arg8[%dma_wait3A_45, %dma_wait3A_50] : memref<80x128xi32, #tpu.memory_space<vmem>> -> memref<1x128xi32, #tpu.memory_space<vmem>>
    %dma_wait3A_52 = tpu.memref_squeeze %dma_wait3A_51 : memref<1x128xi32, #tpu.memory_space<vmem>> -> memref<128xi32, #tpu.memory_space<vmem>>
    %dma_wait3A_53 = arith.constant 0 : i32
    %dma_wait3A_54 = arith.constant 0 : i32
    %dma_wait3A_55 = tpu.memref_slice %arg10[%dma_wait3A_53, %dma_wait3A_54] : memref<10240x16xf32, #tpu.memory_space<vmem_shared>> -> memref<10240x16xf32, #tpu.memory_space<vmem_shared>>
    tpu.wait_indirect_dma semaphore(%arg14 : memref<!tpu.dma_semaphore, #tpu.memory_space<semaphore_mem>>) src(%dma_wait3A_49 : memref<128x16xf32, #tpu.memory_space<vmem>>) dst(%dma_wait3A_55 : memref<10240x16xf32, #tpu.memory_space<vmem_shared>>)
    %barrier3A_56 = arith.constant 0 : index
    tpu.barrier barrier_id(%barrier3A_56)
    %mul3A_57 = arith.constant 640 : i32
    %mul3A_58 = arith.muli %arg1, %mul3A_57 : i32
    %mul3A_59 = arith.constant 640 : i32
    %mul3A_60 = arith.muli %arg1, %mul3A_59 : i32
    "tpu.region"() ({
      %run_scoped3A = tpu.sem_alloc : memref<!tpu.dma_semaphore, #tpu.memory_space<semaphore_mem>>
      %dma_start3A_61 = arith.constant 0 : i32
      %dma_start3A_62 = arith.constant 0 : i32
      %dma_start3A_63 = tpu.memref_slice %arg6[%arg0, %dma_start3A_61, %dma_start3A_62] : memref<2x10240x16xf32, #tpu.memory_space<hbm>> -> memref<1x10240x16xf32, #tpu.memory_space<hbm>>
      %dma_start3A_64 = tpu.memref_squeeze %dma_start3A_63 : memref<1x10240x16xf32, #tpu.memory_space<hbm>> -> memref<10240x16xf32, #tpu.memory_space<hbm>>
      %dma_start3A_65 = arith.constant 0 : i32
      %dma_start3A_66 = tpu.memref_slice %dma_start3A_64[%mul3A_60, %dma_start3A_65] : memref<10240x16xf32, #tpu.memory_space<hbm>> -> memref<640x16xf32, #tpu.memory_space<hbm>>
      %dma_start3A_67 = arith.constant 0 : i32
      %dma_start3A_68 = tpu.memref_slice %arg10[%mul3A_58, %dma_start3A_67] : memref<10240x16xf32, #tpu.memory_space<vmem_shared>> -> memref<640x16xf32, #tpu.memory_space<vmem_shared>>
      tpu.enqueue_dma source(%dma_start3A_68 : memref<640x16xf32, #tpu.memory_space<vmem_shared>>) target(%dma_start3A_66 : memref<640x16xf32, #tpu.memory_space<hbm>>) target_semaphore(%run_scoped3A : memref<!tpu.dma_semaphore, #tpu.memory_space<semaphore_mem>>)
      %dma_wait3A_69 = arith.constant 0 : i32
      %dma_wait3A_70 = arith.constant 0 : i32
      %dma_wait3A_71 = tpu.memref_slice %arg6[%arg0, %dma_wait3A_69, %dma_wait3A_70] : memref<2x10240x16xf32, #tpu.memory_space<hbm>> -> memref<1x10240x16xf32, #tpu.memory_space<hbm>>
      %dma_wait3A_72 = tpu.memref_squeeze %dma_wait3A_71 : memref<1x10240x16xf32, #tpu.memory_space<hbm>> -> memref<10240x16xf32, #tpu.memory_space<hbm>>
      %dma_wait3A_73 = arith.constant 0 : i32
      %dma_wait3A_74 = tpu.memref_slice %dma_wait3A_72[%mul3A_60, %dma_wait3A_73] : memref<10240x16xf32, #tpu.memory_space<hbm>> -> memref<640x16xf32, #tpu.memory_space<hbm>>
      %dma_wait3A_75 = arith.constant 0 : i32
      %dma_wait3A_76 = tpu.memref_slice %arg10[%mul3A_58, %dma_wait3A_75] : memref<10240x16xf32, #tpu.memory_space<vmem_shared>> -> memref<640x16xf32, #tpu.memory_space<vmem_shared>>
      tpu.wait_dma2 semaphore(%run_scoped3A : memref<!tpu.dma_semaphore, #tpu.memory_space<semaphore_mem>>) src(%dma_wait3A_76 : memref<640x16xf32, #tpu.memory_space<vmem_shared>>) dst(%dma_wait3A_74 : memref<640x16xf32, #tpu.memory_space<hbm>>)
      tpu.yield
    }) : () -> ()
    return
  }
}

#map = affine_map<(d0, d1) -> (0, 0, 0)>
#map1 = affine_map<(d0, d1) -> (0)>
#map2 = affine_map<(d0, d1) -> (0, 0)>
module attributes {stable_mosaic.version = 14 : i64} {
  func.func @_sc_degree(%arg0: i32, %arg1: i32, %arg2: memref<32x80x128xi32, #tpu.memory_space<hbm>>, %arg3: memref<10240xf32, #tpu.memory_space<hbm>>, %arg4: memref<128xf32, #tpu.memory_space<hbm>>, %arg5: memref<2x10240xf32, #tpu.memory_space<hbm>>, %arg6: memref<80x128xi32, #tpu.memory_space<vmem>>, %arg7: memref<128xf32, #tpu.memory_space<vmem>>, %arg8: memref<10240xf32, #tpu.memory_space<vmem_shared>>, %arg9: memref<!tpu.dma_semaphore, #tpu.memory_space<semaphore_mem>>, %arg10: memref<!tpu.dma_semaphore, #tpu.memory_space<semaphore_mem>>, %arg11: memref<!tpu.dma_semaphore, #tpu.memory_space<semaphore_mem>>, %arg12: memref<!tpu.dma_semaphore, #tpu.memory_space<semaphore_mem>>) attributes {dimension_semantics = [#tpu.dimension_semantics<core_parallel>, #tpu.dimension_semantics<subcore_parallel>], iteration_bounds = array<i64: 2, 16>, scalar_prefetch = 0 : i64, scratch_operands = 7 : i64, tpu.core_type = #tpu.core_type<sc_vector_subcore>, window_params = [{transform_indices = #map}, {transform_indices = #map1}, {transform_indices = #map1}, {transform_indices = #map2}]} {
    %mul3A = arith.constant 2 : i32
    %mul3A_0 = arith.muli %arg1, %mul3A : i32
    %add3A = arith.addi %mul3A_0, %arg0 : i32
    "tpu.region"() ({
      %run_scoped3A = tpu.sem_alloc : memref<!tpu.dma_semaphore, #tpu.memory_space<semaphore_mem>>
      %dma_start3A = arith.constant 0 : i32
      %dma_start3A_38 = arith.constant 0 : i32
      %dma_start3A_39 = tpu.memref_slice %arg2[%add3A, %dma_start3A, %dma_start3A_38] : memref<32x80x128xi32, #tpu.memory_space<hbm>> -> memref<1x80x128xi32, #tpu.memory_space<hbm>>
      %dma_start3A_40 = tpu.memref_squeeze %dma_start3A_39 : memref<1x80x128xi32, #tpu.memory_space<hbm>> -> memref<80x128xi32, #tpu.memory_space<hbm>>
      %dma_start3A_41 = arith.constant 0 : i32
      %dma_start3A_42 = arith.constant 0 : i32
      %dma_start3A_43 = tpu.memref_slice %arg2[%add3A, %dma_start3A_41, %dma_start3A_42] : memref<32x80x128xi32, #tpu.memory_space<hbm>> -> memref<1x80x128xi32, #tpu.memory_space<hbm>>
      %dma_start3A_44 = tpu.memref_squeeze %dma_start3A_43 : memref<1x80x128xi32, #tpu.memory_space<hbm>> -> memref<80x128xi32, #tpu.memory_space<hbm>>
      tpu.enqueue_dma source(%dma_start3A_44 : memref<80x128xi32, #tpu.memory_space<hbm>>) target(%arg6 : memref<80x128xi32, #tpu.memory_space<vmem>>) target_semaphore(%run_scoped3A : memref<!tpu.dma_semaphore, #tpu.memory_space<semaphore_mem>>)
      %dma_wait3A_45 = arith.constant 0 : i32
      %dma_wait3A_46 = arith.constant 0 : i32
      %dma_wait3A_47 = tpu.memref_slice %arg2[%add3A, %dma_wait3A_45, %dma_wait3A_46] : memref<32x80x128xi32, #tpu.memory_space<hbm>> -> memref<1x80x128xi32, #tpu.memory_space<hbm>>
      %dma_wait3A_48 = tpu.memref_squeeze %dma_wait3A_47 : memref<1x80x128xi32, #tpu.memory_space<hbm>> -> memref<80x128xi32, #tpu.memory_space<hbm>>
      %dma_wait3A_49 = arith.constant 0 : i32
      %dma_wait3A_50 = arith.constant 0 : i32
      %dma_wait3A_51 = tpu.memref_slice %arg2[%add3A, %dma_wait3A_49, %dma_wait3A_50] : memref<32x80x128xi32, #tpu.memory_space<hbm>> -> memref<1x80x128xi32, #tpu.memory_space<hbm>>
      %dma_wait3A_52 = tpu.memref_squeeze %dma_wait3A_51 : memref<1x80x128xi32, #tpu.memory_space<hbm>> -> memref<80x128xi32, #tpu.memory_space<hbm>>
      tpu.wait_dma2 semaphore(%run_scoped3A : memref<!tpu.dma_semaphore, #tpu.memory_space<semaphore_mem>>) src(%dma_wait3A_52 : memref<80x128xi32, #tpu.memory_space<hbm>>) dst(%arg6 : memref<80x128xi32, #tpu.memory_space<vmem>>)
      tpu.yield
    }) : () -> ()
    "tpu.region"() ({
      %run_scoped3A = tpu.sem_alloc : memref<!tpu.dma_semaphore, #tpu.memory_space<semaphore_mem>>
      tpu.enqueue_dma source(%arg4 : memref<128xf32, #tpu.memory_space<hbm>>) target(%arg7 : memref<128xf32, #tpu.memory_space<vmem>>) target_semaphore(%run_scoped3A : memref<!tpu.dma_semaphore, #tpu.memory_space<semaphore_mem>>)
      tpu.wait_dma2 semaphore(%run_scoped3A : memref<!tpu.dma_semaphore, #tpu.memory_space<semaphore_mem>>) src(%arg4 : memref<128xf32, #tpu.memory_space<hbm>>) dst(%arg7 : memref<128xf32, #tpu.memory_space<vmem>>)
      tpu.yield
    }) : () -> ()
    %mul3A_1 = arith.constant 640 : i32
    %mul3A_2 = arith.muli %arg1, %mul3A_1 : i32
    %mul3A_3 = arith.constant 640 : i32
    %mul3A_4 = arith.muli %arg1, %mul3A_3 : i32
    "tpu.region"() ({
      %run_scoped3A = tpu.sem_alloc : memref<!tpu.dma_semaphore, #tpu.memory_space<semaphore_mem>>
      %dma_start3A = tpu.memref_slice %arg8[%mul3A_4] : memref<10240xf32, #tpu.memory_space<vmem_shared>> -> memref<640xf32, #tpu.memory_space<vmem_shared>>
      %dma_start3A_38 = tpu.memref_slice %arg3[%mul3A_2] : memref<10240xf32, #tpu.memory_space<hbm>> -> memref<640xf32, #tpu.memory_space<hbm>>
      tpu.enqueue_dma source(%dma_start3A_38 : memref<640xf32, #tpu.memory_space<hbm>>) target(%dma_start3A : memref<640xf32, #tpu.memory_space<vmem_shared>>) target_semaphore(%run_scoped3A : memref<!tpu.dma_semaphore, #tpu.memory_space<semaphore_mem>>)
      %dma_wait3A_39 = tpu.memref_slice %arg8[%mul3A_4] : memref<10240xf32, #tpu.memory_space<vmem_shared>> -> memref<640xf32, #tpu.memory_space<vmem_shared>>
      %dma_wait3A_40 = tpu.memref_slice %arg3[%mul3A_2] : memref<10240xf32, #tpu.memory_space<hbm>> -> memref<640xf32, #tpu.memory_space<hbm>>
      tpu.wait_dma2 semaphore(%run_scoped3A : memref<!tpu.dma_semaphore, #tpu.memory_space<semaphore_mem>>) src(%dma_wait3A_40 : memref<640xf32, #tpu.memory_space<hbm>>) dst(%dma_wait3A_39 : memref<640xf32, #tpu.memory_space<vmem_shared>>)
      tpu.yield
    }) : () -> ()
    %barrier3A = arith.constant 0 : index
    tpu.barrier barrier_id(%barrier3A)
    %scan3A = arith.constant 0 : i32
    %scan3A_5 = arith.constant 0 : i32
    %scan3A_6 = arith.constant 20 : i32
    %scan3A_7 = arith.addi %scan3A_5, %scan3A_6 : i32
    %scan3A_8 = arith.constant 1 : i32
    scf.for %scan3A_38 = %scan3A_5 to %scan3A_7 step %scan3A_8  : i32 {
      %mul3A_39 = arith.constant 4 : i32
      %mul3A_40 = arith.muli %scan3A_38, %mul3A_39 : i32
      %add3A_41 = arith.constant 0 : i32
      %add3A_42 = arith.addi %mul3A_40, %add3A_41 : i32
      %ge3A = arith.constant 4 : i32
      %ge3A_43 = arith.cmpi sge, %add3A_42, %ge3A : i32
      %convert_element_type3A = arith.extui %ge3A_43 : i1 to i32
      %cond3A = arith.constant 0 : i32
      %cond3A_44 = arith.cmpi ne, %convert_element_type3A, %cond3A : i32
      scf.if %cond3A_44 {
        %sub3A = arith.constant 4 : i32
        %sub3A_91 = arith.subi %add3A_42, %sub3A : i32
        %dma_wait3A_92 = arith.constant 0 : i32
        %dma_wait3A_93 = tpu.memref_slice %arg6[%sub3A_91, %dma_wait3A_92] : memref<80x128xi32, #tpu.memory_space<vmem>> -> memref<1x128xi32, #tpu.memory_space<vmem>>
        %dma_wait3A_94 = tpu.memref_squeeze %dma_wait3A_93 : memref<1x128xi32, #tpu.memory_space<vmem>> -> memref<128xi32, #tpu.memory_space<vmem>>
        %dma_wait3A_95 = arith.constant 0 : i32
        %dma_wait3A_96 = tpu.memref_slice %arg8[%dma_wait3A_95] : memref<10240xf32, #tpu.memory_space<vmem_shared>> -> memref<10240xf32, #tpu.memory_space<vmem_shared>>
        tpu.wait_indirect_dma semaphore(%arg9 : memref<!tpu.dma_semaphore, #tpu.memory_space<semaphore_mem>>) src(%arg7 : memref<128xf32, #tpu.memory_space<vmem>>) dst(%dma_wait3A_96 : memref<10240xf32, #tpu.memory_space<vmem_shared>>)
      } else {
      }
      %dma_start3A = arith.constant 0 : i32
      %dma_start3A_45 = tpu.memref_slice %arg6[%add3A_42, %dma_start3A] : memref<80x128xi32, #tpu.memory_space<vmem>> -> memref<1x128xi32, #tpu.memory_space<vmem>>
      %dma_start3A_46 = tpu.memref_squeeze %dma_start3A_45 : memref<1x128xi32, #tpu.memory_space<vmem>> -> memref<128xi32, #tpu.memory_space<vmem>>
      %dma_start3A_47 = arith.constant 0 : i32
      %dma_start3A_48 = tpu.memref_slice %arg8[%dma_start3A_47] : memref<10240xf32, #tpu.memory_space<vmem_shared>> -> memref<10240xf32, #tpu.memory_space<vmem_shared>>
      tpu.enqueue_indirect_dma source(%arg7 : memref<128xf32, #tpu.memory_space<vmem>>) target(%dma_start3A_48 : memref<10240xf32, #tpu.memory_space<vmem_shared>>) offsets(%dma_start3A_46 : memref<128xi32, #tpu.memory_space<vmem>>) semaphore(%arg9 : memref<!tpu.dma_semaphore, #tpu.memory_space<semaphore_mem>>) {add = true}
      %mul3A_49 = arith.constant 4 : i32
      %mul3A_50 = arith.muli %scan3A_38, %mul3A_49 : i32
      %add3A_51 = arith.constant 1 : i32
      %add3A_52 = arith.addi %mul3A_50, %add3A_51 : i32
      %ge3A_53 = arith.constant 4 : i32
      %ge3A_54 = arith.cmpi sge, %add3A_52, %ge3A_53 : i32
      %convert_element_type3A_55 = arith.extui %ge3A_54 : i1 to i32
      %cond3A_56 = arith.constant 0 : i32
      %cond3A_57 = arith.cmpi ne, %convert_element_type3A_55, %cond3A_56 : i32
      scf.if %cond3A_57 {
        %sub3A = arith.constant 4 : i32
        %sub3A_91 = arith.subi %add3A_52, %sub3A : i32
        %dma_wait3A_92 = arith.constant 0 : i32
        %dma_wait3A_93 = tpu.memref_slice %arg6[%sub3A_91, %dma_wait3A_92] : memref<80x128xi32, #tpu.memory_space<vmem>> -> memref<1x128xi32, #tpu.memory_space<vmem>>
        %dma_wait3A_94 = tpu.memref_squeeze %dma_wait3A_93 : memref<1x128xi32, #tpu.memory_space<vmem>> -> memref<128xi32, #tpu.memory_space<vmem>>
        %dma_wait3A_95 = arith.constant 0 : i32
        %dma_wait3A_96 = tpu.memref_slice %arg8[%dma_wait3A_95] : memref<10240xf32, #tpu.memory_space<vmem_shared>> -> memref<10240xf32, #tpu.memory_space<vmem_shared>>
        tpu.wait_indirect_dma semaphore(%arg10 : memref<!tpu.dma_semaphore, #tpu.memory_space<semaphore_mem>>) src(%arg7 : memref<128xf32, #tpu.memory_space<vmem>>) dst(%dma_wait3A_96 : memref<10240xf32, #tpu.memory_space<vmem_shared>>)
      } else {
      }
      %dma_start3A_58 = arith.constant 0 : i32
      %dma_start3A_59 = tpu.memref_slice %arg6[%add3A_52, %dma_start3A_58] : memref<80x128xi32, #tpu.memory_space<vmem>> -> memref<1x128xi32, #tpu.memory_space<vmem>>
      %dma_start3A_60 = tpu.memref_squeeze %dma_start3A_59 : memref<1x128xi32, #tpu.memory_space<vmem>> -> memref<128xi32, #tpu.memory_space<vmem>>
      %dma_start3A_61 = arith.constant 0 : i32
      %dma_start3A_62 = tpu.memref_slice %arg8[%dma_start3A_61] : memref<10240xf32, #tpu.memory_space<vmem_shared>> -> memref<10240xf32, #tpu.memory_space<vmem_shared>>
      tpu.enqueue_indirect_dma source(%arg7 : memref<128xf32, #tpu.memory_space<vmem>>) target(%dma_start3A_62 : memref<10240xf32, #tpu.memory_space<vmem_shared>>) offsets(%dma_start3A_60 : memref<128xi32, #tpu.memory_space<vmem>>) semaphore(%arg10 : memref<!tpu.dma_semaphore, #tpu.memory_space<semaphore_mem>>) {add = true}
      %mul3A_63 = arith.constant 4 : i32
      %mul3A_64 = arith.muli %scan3A_38, %mul3A_63 : i32
      %add3A_65 = arith.constant 2 : i32
      %add3A_66 = arith.addi %mul3A_64, %add3A_65 : i32
      %ge3A_67 = arith.constant 4 : i32
      %ge3A_68 = arith.cmpi sge, %add3A_66, %ge3A_67 : i32
      %convert_element_type3A_69 = arith.extui %ge3A_68 : i1 to i32
      %cond3A_70 = arith.constant 0 : i32
      %cond3A_71 = arith.cmpi ne, %convert_element_type3A_69, %cond3A_70 : i32
      scf.if %cond3A_71 {
        %sub3A = arith.constant 4 : i32
        %sub3A_91 = arith.subi %add3A_66, %sub3A : i32
        %dma_wait3A_92 = arith.constant 0 : i32
        %dma_wait3A_93 = tpu.memref_slice %arg6[%sub3A_91, %dma_wait3A_92] : memref<80x128xi32, #tpu.memory_space<vmem>> -> memref<1x128xi32, #tpu.memory_space<vmem>>
        %dma_wait3A_94 = tpu.memref_squeeze %dma_wait3A_93 : memref<1x128xi32, #tpu.memory_space<vmem>> -> memref<128xi32, #tpu.memory_space<vmem>>
        %dma_wait3A_95 = arith.constant 0 : i32
        %dma_wait3A_96 = tpu.memref_slice %arg8[%dma_wait3A_95] : memref<10240xf32, #tpu.memory_space<vmem_shared>> -> memref<10240xf32, #tpu.memory_space<vmem_shared>>
        tpu.wait_indirect_dma semaphore(%arg11 : memref<!tpu.dma_semaphore, #tpu.memory_space<semaphore_mem>>) src(%arg7 : memref<128xf32, #tpu.memory_space<vmem>>) dst(%dma_wait3A_96 : memref<10240xf32, #tpu.memory_space<vmem_shared>>)
      } else {
      }
      %dma_start3A_72 = arith.constant 0 : i32
      %dma_start3A_73 = tpu.memref_slice %arg6[%add3A_66, %dma_start3A_72] : memref<80x128xi32, #tpu.memory_space<vmem>> -> memref<1x128xi32, #tpu.memory_space<vmem>>
      %dma_start3A_74 = tpu.memref_squeeze %dma_start3A_73 : memref<1x128xi32, #tpu.memory_space<vmem>> -> memref<128xi32, #tpu.memory_space<vmem>>
      %dma_start3A_75 = arith.constant 0 : i32
      %dma_start3A_76 = tpu.memref_slice %arg8[%dma_start3A_75] : memref<10240xf32, #tpu.memory_space<vmem_shared>> -> memref<10240xf32, #tpu.memory_space<vmem_shared>>
      tpu.enqueue_indirect_dma source(%arg7 : memref<128xf32, #tpu.memory_space<vmem>>) target(%dma_start3A_76 : memref<10240xf32, #tpu.memory_space<vmem_shared>>) offsets(%dma_start3A_74 : memref<128xi32, #tpu.memory_space<vmem>>) semaphore(%arg11 : memref<!tpu.dma_semaphore, #tpu.memory_space<semaphore_mem>>) {add = true}
      %mul3A_77 = arith.constant 4 : i32
      %mul3A_78 = arith.muli %scan3A_38, %mul3A_77 : i32
      %add3A_79 = arith.constant 3 : i32
      %add3A_80 = arith.addi %mul3A_78, %add3A_79 : i32
      %ge3A_81 = arith.constant 4 : i32
      %ge3A_82 = arith.cmpi sge, %add3A_80, %ge3A_81 : i32
      %convert_element_type3A_83 = arith.extui %ge3A_82 : i1 to i32
      %cond3A_84 = arith.constant 0 : i32
      %cond3A_85 = arith.cmpi ne, %convert_element_type3A_83, %cond3A_84 : i32
      scf.if %cond3A_85 {
        %sub3A = arith.constant 4 : i32
        %sub3A_91 = arith.subi %add3A_80, %sub3A : i32
        %dma_wait3A_92 = arith.constant 0 : i32
        %dma_wait3A_93 = tpu.memref_slice %arg6[%sub3A_91, %dma_wait3A_92] : memref<80x128xi32, #tpu.memory_space<vmem>> -> memref<1x128xi32, #tpu.memory_space<vmem>>
        %dma_wait3A_94 = tpu.memref_squeeze %dma_wait3A_93 : memref<1x128xi32, #tpu.memory_space<vmem>> -> memref<128xi32, #tpu.memory_space<vmem>>
        %dma_wait3A_95 = arith.constant 0 : i32
        %dma_wait3A_96 = tpu.memref_slice %arg8[%dma_wait3A_95] : memref<10240xf32, #tpu.memory_space<vmem_shared>> -> memref<10240xf32, #tpu.memory_space<vmem_shared>>
        tpu.wait_indirect_dma semaphore(%arg12 : memref<!tpu.dma_semaphore, #tpu.memory_space<semaphore_mem>>) src(%arg7 : memref<128xf32, #tpu.memory_space<vmem>>) dst(%dma_wait3A_96 : memref<10240xf32, #tpu.memory_space<vmem_shared>>)
      } else {
      }
      %dma_start3A_86 = arith.constant 0 : i32
      %dma_start3A_87 = tpu.memref_slice %arg6[%add3A_80, %dma_start3A_86] : memref<80x128xi32, #tpu.memory_space<vmem>> -> memref<1x128xi32, #tpu.memory_space<vmem>>
      %dma_start3A_88 = tpu.memref_squeeze %dma_start3A_87 : memref<1x128xi32, #tpu.memory_space<vmem>> -> memref<128xi32, #tpu.memory_space<vmem>>
      %dma_start3A_89 = arith.constant 0 : i32
      %dma_start3A_90 = tpu.memref_slice %arg8[%dma_start3A_89] : memref<10240xf32, #tpu.memory_space<vmem_shared>> -> memref<10240xf32, #tpu.memory_space<vmem_shared>>
      tpu.enqueue_indirect_dma source(%arg7 : memref<128xf32, #tpu.memory_space<vmem>>) target(%dma_start3A_90 : memref<10240xf32, #tpu.memory_space<vmem_shared>>) offsets(%dma_start3A_88 : memref<128xi32, #tpu.memory_space<vmem>>) semaphore(%arg12 : memref<!tpu.dma_semaphore, #tpu.memory_space<semaphore_mem>>) {add = true}
    }
    %scan3A_9 = arith.constant 20 : i32
    %dma_wait3A = arith.constant 76 : i32
    %dma_wait3A_10 = arith.constant 0 : i32
    %dma_wait3A_11 = tpu.memref_slice %arg6[%dma_wait3A, %dma_wait3A_10] : memref<80x128xi32, #tpu.memory_space<vmem>> -> memref<1x128xi32, #tpu.memory_space<vmem>>
    %dma_wait3A_12 = tpu.memref_squeeze %dma_wait3A_11 : memref<1x128xi32, #tpu.memory_space<vmem>> -> memref<128xi32, #tpu.memory_space<vmem>>
    %dma_wait3A_13 = arith.constant 0 : i32
    %dma_wait3A_14 = tpu.memref_slice %arg8[%dma_wait3A_13] : memref<10240xf32, #tpu.memory_space<vmem_shared>> -> memref<10240xf32, #tpu.memory_space<vmem_shared>>
    tpu.wait_indirect_dma semaphore(%arg9 : memref<!tpu.dma_semaphore, #tpu.memory_space<semaphore_mem>>) src(%arg7 : memref<128xf32, #tpu.memory_space<vmem>>) dst(%dma_wait3A_14 : memref<10240xf32, #tpu.memory_space<vmem_shared>>)
    %dma_wait3A_15 = arith.constant 77 : i32
    %dma_wait3A_16 = arith.constant 0 : i32
    %dma_wait3A_17 = tpu.memref_slice %arg6[%dma_wait3A_15, %dma_wait3A_16] : memref<80x128xi32, #tpu.memory_space<vmem>> -> memref<1x128xi32, #tpu.memory_space<vmem>>
    %dma_wait3A_18 = tpu.memref_squeeze %dma_wait3A_17 : memref<1x128xi32, #tpu.memory_space<vmem>> -> memref<128xi32, #tpu.memory_space<vmem>>
    %dma_wait3A_19 = arith.constant 0 : i32
    %dma_wait3A_20 = tpu.memref_slice %arg8[%dma_wait3A_19] : memref<10240xf32, #tpu.memory_space<vmem_shared>> -> memref<10240xf32, #tpu.memory_space<vmem_shared>>
    tpu.wait_indirect_dma semaphore(%arg10 : memref<!tpu.dma_semaphore, #tpu.memory_space<semaphore_mem>>) src(%arg7 : memref<128xf32, #tpu.memory_space<vmem>>) dst(%dma_wait3A_20 : memref<10240xf32, #tpu.memory_space<vmem_shared>>)
    %dma_wait3A_21 = arith.constant 78 : i32
    %dma_wait3A_22 = arith.constant 0 : i32
    %dma_wait3A_23 = tpu.memref_slice %arg6[%dma_wait3A_21, %dma_wait3A_22] : memref<80x128xi32, #tpu.memory_space<vmem>> -> memref<1x128xi32, #tpu.memory_space<vmem>>
    %dma_wait3A_24 = tpu.memref_squeeze %dma_wait3A_23 : memref<1x128xi32, #tpu.memory_space<vmem>> -> memref<128xi32, #tpu.memory_space<vmem>>
    %dma_wait3A_25 = arith.constant 0 : i32
    %dma_wait3A_26 = tpu.memref_slice %arg8[%dma_wait3A_25] : memref<10240xf32, #tpu.memory_space<vmem_shared>> -> memref<10240xf32, #tpu.memory_space<vmem_shared>>
    tpu.wait_indirect_dma semaphore(%arg11 : memref<!tpu.dma_semaphore, #tpu.memory_space<semaphore_mem>>) src(%arg7 : memref<128xf32, #tpu.memory_space<vmem>>) dst(%dma_wait3A_26 : memref<10240xf32, #tpu.memory_space<vmem_shared>>)
    %dma_wait3A_27 = arith.constant 79 : i32
    %dma_wait3A_28 = arith.constant 0 : i32
    %dma_wait3A_29 = tpu.memref_slice %arg6[%dma_wait3A_27, %dma_wait3A_28] : memref<80x128xi32, #tpu.memory_space<vmem>> -> memref<1x128xi32, #tpu.memory_space<vmem>>
    %dma_wait3A_30 = tpu.memref_squeeze %dma_wait3A_29 : memref<1x128xi32, #tpu.memory_space<vmem>> -> memref<128xi32, #tpu.memory_space<vmem>>
    %dma_wait3A_31 = arith.constant 0 : i32
    %dma_wait3A_32 = tpu.memref_slice %arg8[%dma_wait3A_31] : memref<10240xf32, #tpu.memory_space<vmem_shared>> -> memref<10240xf32, #tpu.memory_space<vmem_shared>>
    tpu.wait_indirect_dma semaphore(%arg12 : memref<!tpu.dma_semaphore, #tpu.memory_space<semaphore_mem>>) src(%arg7 : memref<128xf32, #tpu.memory_space<vmem>>) dst(%dma_wait3A_32 : memref<10240xf32, #tpu.memory_space<vmem_shared>>)
    %barrier3A_33 = arith.constant 0 : index
    tpu.barrier barrier_id(%barrier3A_33)
    %mul3A_34 = arith.constant 640 : i32
    %mul3A_35 = arith.muli %arg1, %mul3A_34 : i32
    %mul3A_36 = arith.constant 640 : i32
    %mul3A_37 = arith.muli %arg1, %mul3A_36 : i32
    "tpu.region"() ({
      %run_scoped3A = tpu.sem_alloc : memref<!tpu.dma_semaphore, #tpu.memory_space<semaphore_mem>>
      %dma_start3A = arith.constant 0 : i32
      %dma_start3A_38 = tpu.memref_slice %arg5[%arg0, %dma_start3A] : memref<2x10240xf32, #tpu.memory_space<hbm>> -> memref<1x10240xf32, #tpu.memory_space<hbm>>
      %dma_start3A_39 = tpu.memref_squeeze %dma_start3A_38 : memref<1x10240xf32, #tpu.memory_space<hbm>> -> memref<10240xf32, #tpu.memory_space<hbm>>
      %dma_start3A_40 = tpu.memref_slice %dma_start3A_39[%mul3A_37] : memref<10240xf32, #tpu.memory_space<hbm>> -> memref<640xf32, #tpu.memory_space<hbm>>
      %dma_start3A_41 = tpu.memref_slice %arg8[%mul3A_35] : memref<10240xf32, #tpu.memory_space<vmem_shared>> -> memref<640xf32, #tpu.memory_space<vmem_shared>>
      tpu.enqueue_dma source(%dma_start3A_41 : memref<640xf32, #tpu.memory_space<vmem_shared>>) target(%dma_start3A_40 : memref<640xf32, #tpu.memory_space<hbm>>) target_semaphore(%run_scoped3A : memref<!tpu.dma_semaphore, #tpu.memory_space<semaphore_mem>>)
      %dma_wait3A_42 = arith.constant 0 : i32
      %dma_wait3A_43 = tpu.memref_slice %arg5[%arg0, %dma_wait3A_42] : memref<2x10240xf32, #tpu.memory_space<hbm>> -> memref<1x10240xf32, #tpu.memory_space<hbm>>
      %dma_wait3A_44 = tpu.memref_squeeze %dma_wait3A_43 : memref<1x10240xf32, #tpu.memory_space<hbm>> -> memref<10240xf32, #tpu.memory_space<hbm>>
      %dma_wait3A_45 = tpu.memref_slice %dma_wait3A_44[%mul3A_37] : memref<10240xf32, #tpu.memory_space<hbm>> -> memref<640xf32, #tpu.memory_space<hbm>>
      %dma_wait3A_46 = tpu.memref_slice %arg8[%mul3A_35] : memref<10240xf32, #tpu.memory_space<vmem_shared>> -> memref<640xf32, #tpu.memory_space<vmem_shared>>
      tpu.wait_dma2 semaphore(%run_scoped3A : memref<!tpu.dma_semaphore, #tpu.memory_space<semaphore_mem>>) src(%dma_wait3A_46 : memref<640xf32, #tpu.memory_space<vmem_shared>>) dst(%dma_wait3A_45 : memref<640xf32, #tpu.memory_space<hbm>>)
      tpu.yield
    }) : () -> ()
    return
  }
}

#map = affine_map<(d0, d1) -> (0, 0)>
#map1 = affine_map<(d0, d1) -> (0, 0, 0)>
module attributes {stable_mosaic.version = 14 : i64} {
  func.func @_sc_aggregate(%arg0: i32, %arg1: i32, %arg2: memref<10000x16xf32, #tpu.memory_space<hbm>>, %arg3: memref<32x80x128xi32, #tpu.memory_space<hbm>>, %arg4: memref<32x80x128xi32, #tpu.memory_space<hbm>>, %arg5: memref<10240x16xf32, #tpu.memory_space<hbm>>, %arg6: memref<2x10240x16xf32, #tpu.memory_space<hbm>>, %arg7: memref<80x128xi32, #tpu.memory_space<vmem>>, %arg8: memref<80x128xi32, #tpu.memory_space<vmem>>, %arg9: memref<4x128x16xf32, #tpu.memory_space<vmem>>, %arg10: memref<10240x16xf32, #tpu.memory_space<vmem_shared>>, %arg11: memref<!tpu.dma_semaphore, #tpu.memory_space<semaphore_mem>>, %arg12: memref<!tpu.dma_semaphore, #tpu.memory_space<semaphore_mem>>, %arg13: memref<!tpu.dma_semaphore, #tpu.memory_space<semaphore_mem>>, %arg14: memref<!tpu.dma_semaphore, #tpu.memory_space<semaphore_mem>>) attributes {dimension_semantics = [#tpu.dimension_semantics<core_parallel>, #tpu.dimension_semantics<subcore_parallel>], iteration_bounds = array<i64: 2, 16>, scalar_prefetch = 0 : i64, scratch_operands = 8 : i64, tpu.core_type = #tpu.core_type<sc_vector_subcore>, window_params = [{transform_indices = #map}, {transform_indices = #map1}, {transform_indices = #map1}, {transform_indices = #map}, {transform_indices = #map1}]} {
    %mul3A = arith.constant 2 : i32
    %mul3A_0 = arith.muli %arg1, %mul3A : i32
    %add3A = arith.addi %mul3A_0, %arg0 : i32
    "tpu.region"() ({
      %run_scoped3A = tpu.sem_alloc : memref<!tpu.dma_semaphore, #tpu.memory_space<semaphore_mem>>
      %dma_start3A_61 = arith.constant 0 : i32
      %dma_start3A_62 = arith.constant 0 : i32
      %dma_start3A_63 = tpu.memref_slice %arg3[%add3A, %dma_start3A_61, %dma_start3A_62] : memref<32x80x128xi32, #tpu.memory_space<hbm>> -> memref<1x80x128xi32, #tpu.memory_space<hbm>>
      %dma_start3A_64 = tpu.memref_squeeze %dma_start3A_63 : memref<1x80x128xi32, #tpu.memory_space<hbm>> -> memref<80x128xi32, #tpu.memory_space<hbm>>
      %dma_start3A_65 = arith.constant 0 : i32
      %dma_start3A_66 = arith.constant 0 : i32
      %dma_start3A_67 = tpu.memref_slice %arg3[%add3A, %dma_start3A_65, %dma_start3A_66] : memref<32x80x128xi32, #tpu.memory_space<hbm>> -> memref<1x80x128xi32, #tpu.memory_space<hbm>>
      %dma_start3A_68 = tpu.memref_squeeze %dma_start3A_67 : memref<1x80x128xi32, #tpu.memory_space<hbm>> -> memref<80x128xi32, #tpu.memory_space<hbm>>
      tpu.enqueue_dma source(%dma_start3A_68 : memref<80x128xi32, #tpu.memory_space<hbm>>) target(%arg7 : memref<80x128xi32, #tpu.memory_space<vmem>>) target_semaphore(%run_scoped3A : memref<!tpu.dma_semaphore, #tpu.memory_space<semaphore_mem>>)
      %dma_wait3A_69 = arith.constant 0 : i32
      %dma_wait3A_70 = arith.constant 0 : i32
      %dma_wait3A_71 = tpu.memref_slice %arg3[%add3A, %dma_wait3A_69, %dma_wait3A_70] : memref<32x80x128xi32, #tpu.memory_space<hbm>> -> memref<1x80x128xi32, #tpu.memory_space<hbm>>
      %dma_wait3A_72 = tpu.memref_squeeze %dma_wait3A_71 : memref<1x80x128xi32, #tpu.memory_space<hbm>> -> memref<80x128xi32, #tpu.memory_space<hbm>>
      %dma_wait3A_73 = arith.constant 0 : i32
      %dma_wait3A_74 = arith.constant 0 : i32
      %dma_wait3A_75 = tpu.memref_slice %arg3[%add3A, %dma_wait3A_73, %dma_wait3A_74] : memref<32x80x128xi32, #tpu.memory_space<hbm>> -> memref<1x80x128xi32, #tpu.memory_space<hbm>>
      %dma_wait3A_76 = tpu.memref_squeeze %dma_wait3A_75 : memref<1x80x128xi32, #tpu.memory_space<hbm>> -> memref<80x128xi32, #tpu.memory_space<hbm>>
      tpu.wait_dma2 semaphore(%run_scoped3A : memref<!tpu.dma_semaphore, #tpu.memory_space<semaphore_mem>>) src(%dma_wait3A_76 : memref<80x128xi32, #tpu.memory_space<hbm>>) dst(%arg7 : memref<80x128xi32, #tpu.memory_space<vmem>>)
      tpu.yield
    }) : () -> ()
    "tpu.region"() ({
      %run_scoped3A = tpu.sem_alloc : memref<!tpu.dma_semaphore, #tpu.memory_space<semaphore_mem>>
      %dma_start3A_61 = arith.constant 0 : i32
      %dma_start3A_62 = arith.constant 0 : i32
      %dma_start3A_63 = tpu.memref_slice %arg4[%add3A, %dma_start3A_61, %dma_start3A_62] : memref<32x80x128xi32, #tpu.memory_space<hbm>> -> memref<1x80x128xi32, #tpu.memory_space<hbm>>
      %dma_start3A_64 = tpu.memref_squeeze %dma_start3A_63 : memref<1x80x128xi32, #tpu.memory_space<hbm>> -> memref<80x128xi32, #tpu.memory_space<hbm>>
      %dma_start3A_65 = arith.constant 0 : i32
      %dma_start3A_66 = arith.constant 0 : i32
      %dma_start3A_67 = tpu.memref_slice %arg4[%add3A, %dma_start3A_65, %dma_start3A_66] : memref<32x80x128xi32, #tpu.memory_space<hbm>> -> memref<1x80x128xi32, #tpu.memory_space<hbm>>
      %dma_start3A_68 = tpu.memref_squeeze %dma_start3A_67 : memref<1x80x128xi32, #tpu.memory_space<hbm>> -> memref<80x128xi32, #tpu.memory_space<hbm>>
      tpu.enqueue_dma source(%dma_start3A_68 : memref<80x128xi32, #tpu.memory_space<hbm>>) target(%arg8 : memref<80x128xi32, #tpu.memory_space<vmem>>) target_semaphore(%run_scoped3A : memref<!tpu.dma_semaphore, #tpu.memory_space<semaphore_mem>>)
      %dma_wait3A_69 = arith.constant 0 : i32
      %dma_wait3A_70 = arith.constant 0 : i32
      %dma_wait3A_71 = tpu.memref_slice %arg4[%add3A, %dma_wait3A_69, %dma_wait3A_70] : memref<32x80x128xi32, #tpu.memory_space<hbm>> -> memref<1x80x128xi32, #tpu.memory_space<hbm>>
      %dma_wait3A_72 = tpu.memref_squeeze %dma_wait3A_71 : memref<1x80x128xi32, #tpu.memory_space<hbm>> -> memref<80x128xi32, #tpu.memory_space<hbm>>
      %dma_wait3A_73 = arith.constant 0 : i32
      %dma_wait3A_74 = arith.constant 0 : i32
      %dma_wait3A_75 = tpu.memref_slice %arg4[%add3A, %dma_wait3A_73, %dma_wait3A_74] : memref<32x80x128xi32, #tpu.memory_space<hbm>> -> memref<1x80x128xi32, #tpu.memory_space<hbm>>
      %dma_wait3A_76 = tpu.memref_squeeze %dma_wait3A_75 : memref<1x80x128xi32, #tpu.memory_space<hbm>> -> memref<80x128xi32, #tpu.memory_space<hbm>>
      tpu.wait_dma2 semaphore(%run_scoped3A : memref<!tpu.dma_semaphore, #tpu.memory_space<semaphore_mem>>) src(%dma_wait3A_76 : memref<80x128xi32, #tpu.memory_space<hbm>>) dst(%arg8 : memref<80x128xi32, #tpu.memory_space<vmem>>)
      tpu.yield
    }) : () -> ()
    %mul3A_1 = arith.constant 640 : i32
    %mul3A_2 = arith.muli %arg1, %mul3A_1 : i32
    %mul3A_3 = arith.constant 640 : i32
    %mul3A_4 = arith.muli %arg1, %mul3A_3 : i32
    "tpu.region"() ({
      %run_scoped3A = tpu.sem_alloc : memref<!tpu.dma_semaphore, #tpu.memory_space<semaphore_mem>>
      %dma_start3A_61 = arith.constant 0 : i32
      %dma_start3A_62 = tpu.memref_slice %arg10[%mul3A_4, %dma_start3A_61] : memref<10240x16xf32, #tpu.memory_space<vmem_shared>> -> memref<640x16xf32, #tpu.memory_space<vmem_shared>>
      %dma_start3A_63 = arith.constant 0 : i32
      %dma_start3A_64 = tpu.memref_slice %arg5[%mul3A_2, %dma_start3A_63] : memref<10240x16xf32, #tpu.memory_space<hbm>> -> memref<640x16xf32, #tpu.memory_space<hbm>>
      tpu.enqueue_dma source(%dma_start3A_64 : memref<640x16xf32, #tpu.memory_space<hbm>>) target(%dma_start3A_62 : memref<640x16xf32, #tpu.memory_space<vmem_shared>>) target_semaphore(%run_scoped3A : memref<!tpu.dma_semaphore, #tpu.memory_space<semaphore_mem>>)
      %dma_wait3A_65 = arith.constant 0 : i32
      %dma_wait3A_66 = tpu.memref_slice %arg10[%mul3A_4, %dma_wait3A_65] : memref<10240x16xf32, #tpu.memory_space<vmem_shared>> -> memref<640x16xf32, #tpu.memory_space<vmem_shared>>
      %dma_wait3A_67 = arith.constant 0 : i32
      %dma_wait3A_68 = tpu.memref_slice %arg5[%mul3A_2, %dma_wait3A_67] : memref<10240x16xf32, #tpu.memory_space<hbm>> -> memref<640x16xf32, #tpu.memory_space<hbm>>
      tpu.wait_dma2 semaphore(%run_scoped3A : memref<!tpu.dma_semaphore, #tpu.memory_space<semaphore_mem>>) src(%dma_wait3A_68 : memref<640x16xf32, #tpu.memory_space<hbm>>) dst(%dma_wait3A_66 : memref<640x16xf32, #tpu.memory_space<vmem_shared>>)
      tpu.yield
    }) : () -> ()
    %barrier3A = arith.constant 0 : index
    tpu.barrier barrier_id(%barrier3A)
    %dma_start3A = arith.constant 0 : i32
    %dma_start3A_5 = arith.constant 0 : i32
    %dma_start3A_6 = arith.constant 0 : i32
    %dma_start3A_7 = arith.constant 0 : i32
    %dma_start3A_8 = tpu.memref_slice %arg9[%dma_start3A_5, %dma_start3A_6, %dma_start3A_7] : memref<4x128x16xf32, #tpu.memory_space<vmem>> -> memref<1x128x16xf32, #tpu.memory_space<vmem>>
    %dma_start3A_9 = tpu.memref_squeeze %dma_start3A_8 : memref<1x128x16xf32, #tpu.memory_space<vmem>> -> memref<128x16xf32, #tpu.memory_space<vmem>>
    %dma_start3A_10 = arith.constant 0 : i32
    %dma_start3A_11 = tpu.memref_slice %arg7[%dma_start3A, %dma_start3A_10] : memref<80x128xi32, #tpu.memory_space<vmem>> -> memref<1x128xi32, #tpu.memory_space<vmem>>
    %dma_start3A_12 = tpu.memref_squeeze %dma_start3A_11 : memref<1x128xi32, #tpu.memory_space<vmem>> -> memref<128xi32, #tpu.memory_space<vmem>>
    %dma_start3A_13 = arith.constant 0 : i32
    %dma_start3A_14 = arith.constant 0 : i32
    %dma_start3A_15 = tpu.memref_slice %arg2[%dma_start3A_13, %dma_start3A_14] : memref<10000x16xf32, #tpu.memory_space<hbm>> -> memref<10000x16xf32, #tpu.memory_space<hbm>>
    tpu.enqueue_indirect_dma source(%dma_start3A_15 : memref<10000x16xf32, #tpu.memory_space<hbm>>) target(%dma_start3A_9 : memref<128x16xf32, #tpu.memory_space<vmem>>) offsets(%dma_start3A_12 : memref<128xi32, #tpu.memory_space<vmem>>) semaphore(%arg11 : memref<!tpu.dma_semaphore, #tpu.memory_space<semaphore_mem>>)
    %dma_start3A_16 = arith.constant 1 : i32
    %dma_start3A_17 = arith.constant 1 : i32
    %dma_start3A_18 = arith.constant 0 : i32
    %dma_start3A_19 = arith.constant 0 : i32
    %dma_start3A_20 = tpu.memref_slice %arg9[%dma_start3A_17, %dma_start3A_18, %dma_start3A_19] : memref<4x128x16xf32, #tpu.memory_space<vmem>> -> memref<1x128x16xf32, #tpu.memory_space<vmem>>
    %dma_start3A_21 = tpu.memref_squeeze %dma_start3A_20 : memref<1x128x16xf32, #tpu.memory_space<vmem>> -> memref<128x16xf32, #tpu.memory_space<vmem>>
    %dma_start3A_22 = arith.constant 0 : i32
    %dma_start3A_23 = tpu.memref_slice %arg7[%dma_start3A_16, %dma_start3A_22] : memref<80x128xi32, #tpu.memory_space<vmem>> -> memref<1x128xi32, #tpu.memory_space<vmem>>
    %dma_start3A_24 = tpu.memref_squeeze %dma_start3A_23 : memref<1x128xi32, #tpu.memory_space<vmem>> -> memref<128xi32, #tpu.memory_space<vmem>>
    %dma_start3A_25 = arith.constant 0 : i32
    %dma_start3A_26 = arith.constant 0 : i32
    %dma_start3A_27 = tpu.memref_slice %arg2[%dma_start3A_25, %dma_start3A_26] : memref<10000x16xf32, #tpu.memory_space<hbm>> -> memref<10000x16xf32, #tpu.memory_space<hbm>>
    tpu.enqueue_indirect_dma source(%dma_start3A_27 : memref<10000x16xf32, #tpu.memory_space<hbm>>) target(%dma_start3A_21 : memref<128x16xf32, #tpu.memory_space<vmem>>) offsets(%dma_start3A_24 : memref<128xi32, #tpu.memory_space<vmem>>) semaphore(%arg12 : memref<!tpu.dma_semaphore, #tpu.memory_space<semaphore_mem>>)
    %scan3A = arith.constant 0 : i32
    %scan3A_28 = arith.constant 0 : i32
    %scan3A_29 = arith.constant 20 : i32
    %scan3A_30 = arith.addi %scan3A_28, %scan3A_29 : i32
    %scan3A_31 = arith.constant 1 : i32
    scf.for %scan3A_61 = %scan3A_28 to %scan3A_30 step %scan3A_31  : i32 {
      %mul3A_62 = arith.constant 4 : i32
      %mul3A_63 = arith.muli %scan3A_61, %mul3A_62 : i32
      %add3A_64 = arith.constant 0 : i32
      %add3A_65 = arith.addi %mul3A_63, %add3A_64 : i32
      %dma_wait3A_66 = arith.constant 0 : i32
      %dma_wait3A_67 = arith.constant 0 : i32
      %dma_wait3A_68 = arith.constant 0 : i32
      %dma_wait3A_69 = tpu.memref_slice %arg9[%dma_wait3A_66, %dma_wait3A_67, %dma_wait3A_68] : memref<4x128x16xf32, #tpu.memory_space<vmem>> -> memref<1x128x16xf32, #tpu.memory_space<vmem>>
      %dma_wait3A_70 = tpu.memref_squeeze %dma_wait3A_69 : memref<1x128x16xf32, #tpu.memory_space<vmem>> -> memref<128x16xf32, #tpu.memory_space<vmem>>
      %dma_wait3A_71 = arith.constant 0 : i32
      %dma_wait3A_72 = tpu.memref_slice %arg7[%add3A_65, %dma_wait3A_71] : memref<80x128xi32, #tpu.memory_space<vmem>> -> memref<1x128xi32, #tpu.memory_space<vmem>>
      %dma_wait3A_73 = tpu.memref_squeeze %dma_wait3A_72 : memref<1x128xi32, #tpu.memory_space<vmem>> -> memref<128xi32, #tpu.memory_space<vmem>>
      %dma_wait3A_74 = arith.constant 0 : i32
      %dma_wait3A_75 = arith.constant 0 : i32
      %dma_wait3A_76 = tpu.memref_slice %arg2[%dma_wait3A_74, %dma_wait3A_75] : memref<10000x16xf32, #tpu.memory_space<hbm>> -> memref<10000x16xf32, #tpu.memory_space<hbm>>
      tpu.wait_indirect_dma semaphore(%arg11 : memref<!tpu.dma_semaphore, #tpu.memory_space<semaphore_mem>>) src(%dma_wait3A_76 : memref<10000x16xf32, #tpu.memory_space<hbm>>) dst(%dma_wait3A_70 : memref<128x16xf32, #tpu.memory_space<vmem>>)
      %dma_start3A_77 = arith.constant 0 : i32
      %dma_start3A_78 = arith.constant 0 : i32
      %dma_start3A_79 = arith.constant 0 : i32
      %dma_start3A_80 = tpu.memref_slice %arg9[%dma_start3A_77, %dma_start3A_78, %dma_start3A_79] : memref<4x128x16xf32, #tpu.memory_space<vmem>> -> memref<1x128x16xf32, #tpu.memory_space<vmem>>
      %dma_start3A_81 = tpu.memref_squeeze %dma_start3A_80 : memref<1x128x16xf32, #tpu.memory_space<vmem>> -> memref<128x16xf32, #tpu.memory_space<vmem>>
      %dma_start3A_82 = arith.constant 0 : i32
      %dma_start3A_83 = tpu.memref_slice %arg8[%add3A_65, %dma_start3A_82] : memref<80x128xi32, #tpu.memory_space<vmem>> -> memref<1x128xi32, #tpu.memory_space<vmem>>
      %dma_start3A_84 = tpu.memref_squeeze %dma_start3A_83 : memref<1x128xi32, #tpu.memory_space<vmem>> -> memref<128xi32, #tpu.memory_space<vmem>>
      %dma_start3A_85 = arith.constant 0 : i32
      %dma_start3A_86 = arith.constant 0 : i32
      %dma_start3A_87 = tpu.memref_slice %arg10[%dma_start3A_85, %dma_start3A_86] : memref<10240x16xf32, #tpu.memory_space<vmem_shared>> -> memref<10240x16xf32, #tpu.memory_space<vmem_shared>>
      tpu.enqueue_indirect_dma source(%dma_start3A_81 : memref<128x16xf32, #tpu.memory_space<vmem>>) target(%dma_start3A_87 : memref<10240x16xf32, #tpu.memory_space<vmem_shared>>) offsets(%dma_start3A_84 : memref<128xi32, #tpu.memory_space<vmem>>) semaphore(%arg11 : memref<!tpu.dma_semaphore, #tpu.memory_space<semaphore_mem>>) {add = true}
      %ge3A = arith.constant 2 : i32
      %ge3A_88 = arith.cmpi sge, %add3A_65, %ge3A : i32
      %convert_element_type3A = arith.extui %ge3A_88 : i1 to i32
      %cond3A = arith.constant 0 : i32
      %cond3A_89 = arith.cmpi ne, %convert_element_type3A, %cond3A : i32
      scf.if %cond3A_89 {
        %sub3A = arith.constant 2 : i32
        %sub3A_210 = arith.subi %add3A_65, %sub3A : i32
        %dma_wait3A_211 = arith.constant 2 : i32
        %dma_wait3A_212 = arith.constant 0 : i32
        %dma_wait3A_213 = arith.constant 0 : i32
        %dma_wait3A_214 = tpu.memref_slice %arg9[%dma_wait3A_211, %dma_wait3A_212, %dma_wait3A_213] : memref<4x128x16xf32, #tpu.memory_space<vmem>> -> memref<1x128x16xf32, #tpu.memory_space<vmem>>
        %dma_wait3A_215 = tpu.memref_squeeze %dma_wait3A_214 : memref<1x128x16xf32, #tpu.memory_space<vmem>> -> memref<128x16xf32, #tpu.memory_space<vmem>>
        %dma_wait3A_216 = arith.constant 0 : i32
        %dma_wait3A_217 = tpu.memref_slice %arg8[%sub3A_210, %dma_wait3A_216] : memref<80x128xi32, #tpu.memory_space<vmem>> -> memref<1x128xi32, #tpu.memory_space<vmem>>
        %dma_wait3A_218 = tpu.memref_squeeze %dma_wait3A_217 : memref<1x128xi32, #tpu.memory_space<vmem>> -> memref<128xi32, #tpu.memory_space<vmem>>
        %dma_wait3A_219 = arith.constant 0 : i32
        %dma_wait3A_220 = arith.constant 0 : i32
        %dma_wait3A_221 = tpu.memref_slice %arg10[%dma_wait3A_219, %dma_wait3A_220] : memref<10240x16xf32, #tpu.memory_space<vmem_shared>> -> memref<10240x16xf32, #tpu.memory_space<vmem_shared>>
        tpu.wait_indirect_dma semaphore(%arg13 : memref<!tpu.dma_semaphore, #tpu.memory_space<semaphore_mem>>) src(%dma_wait3A_215 : memref<128x16xf32, #tpu.memory_space<vmem>>) dst(%dma_wait3A_221 : memref<10240x16xf32, #tpu.memory_space<vmem_shared>>)
      } else {
      }
      %add3A_90 = arith.constant 2 : i32
      %add3A_91 = arith.addi %add3A_65, %add3A_90 : i32
      %lt3A = arith.constant 80 : i32
      %lt3A_92 = arith.cmpi slt, %add3A_91, %lt3A : i32
      %convert_element_type3A_93 = arith.extui %lt3A_92 : i1 to i32
      %cond3A_94 = arith.constant 0 : i32
      %cond3A_95 = arith.cmpi ne, %convert_element_type3A_93, %cond3A_94 : i32
      scf.if %cond3A_95 {
        %add3A_210 = arith.constant 2 : i32
        %add3A_211 = arith.addi %add3A_65, %add3A_210 : i32
        %dma_start3A_212 = arith.constant 2 : i32
        %dma_start3A_213 = arith.constant 0 : i32
        %dma_start3A_214 = arith.constant 0 : i32
        %dma_start3A_215 = tpu.memref_slice %arg9[%dma_start3A_212, %dma_start3A_213, %dma_start3A_214] : memref<4x128x16xf32, #tpu.memory_space<vmem>> -> memref<1x128x16xf32, #tpu.memory_space<vmem>>
        %dma_start3A_216 = tpu.memref_squeeze %dma_start3A_215 : memref<1x128x16xf32, #tpu.memory_space<vmem>> -> memref<128x16xf32, #tpu.memory_space<vmem>>
        %dma_start3A_217 = arith.constant 0 : i32
        %dma_start3A_218 = tpu.memref_slice %arg7[%add3A_211, %dma_start3A_217] : memref<80x128xi32, #tpu.memory_space<vmem>> -> memref<1x128xi32, #tpu.memory_space<vmem>>
        %dma_start3A_219 = tpu.memref_squeeze %dma_start3A_218 : memref<1x128xi32, #tpu.memory_space<vmem>> -> memref<128xi32, #tpu.memory_space<vmem>>
        %dma_start3A_220 = arith.constant 0 : i32
        %dma_start3A_221 = arith.constant 0 : i32
        %dma_start3A_222 = tpu.memref_slice %arg2[%dma_start3A_220, %dma_start3A_221] : memref<10000x16xf32, #tpu.memory_space<hbm>> -> memref<10000x16xf32, #tpu.memory_space<hbm>>
        tpu.enqueue_indirect_dma source(%dma_start3A_222 : memref<10000x16xf32, #tpu.memory_space<hbm>>) target(%dma_start3A_216 : memref<128x16xf32, #tpu.memory_space<vmem>>) offsets(%dma_start3A_219 : memref<128xi32, #tpu.memory_space<vmem>>) semaphore(%arg13 : memref<!tpu.dma_semaphore, #tpu.memory_space<semaphore_mem>>)
      } else {
      }
      %mul3A_96 = arith.constant 4 : i32
      %mul3A_97 = arith.muli %scan3A_61, %mul3A_96 : i32
      %add3A_98 = arith.constant 1 : i32
      %add3A_99 = arith.addi %mul3A_97, %add3A_98 : i32
      %dma_wait3A_100 = arith.constant 1 : i32
      %dma_wait3A_101 = arith.constant 0 : i32
      %dma_wait3A_102 = arith.constant 0 : i32
      %dma_wait3A_103 = tpu.memref_slice %arg9[%dma_wait3A_100, %dma_wait3A_101, %dma_wait3A_102] : memref<4x128x16xf32, #tpu.memory_space<vmem>> -> memref<1x128x16xf32, #tpu.memory_space<vmem>>
      %dma_wait3A_104 = tpu.memref_squeeze %dma_wait3A_103 : memref<1x128x16xf32, #tpu.memory_space<vmem>> -> memref<128x16xf32, #tpu.memory_space<vmem>>
      %dma_wait3A_105 = arith.constant 0 : i32
      %dma_wait3A_106 = tpu.memref_slice %arg7[%add3A_99, %dma_wait3A_105] : memref<80x128xi32, #tpu.memory_space<vmem>> -> memref<1x128xi32, #tpu.memory_space<vmem>>
      %dma_wait3A_107 = tpu.memref_squeeze %dma_wait3A_106 : memref<1x128xi32, #tpu.memory_space<vmem>> -> memref<128xi32, #tpu.memory_space<vmem>>
      %dma_wait3A_108 = arith.constant 0 : i32
      %dma_wait3A_109 = arith.constant 0 : i32
      %dma_wait3A_110 = tpu.memref_slice %arg2[%dma_wait3A_108, %dma_wait3A_109] : memref<10000x16xf32, #tpu.memory_space<hbm>> -> memref<10000x16xf32, #tpu.memory_space<hbm>>
      tpu.wait_indirect_dma semaphore(%arg12 : memref<!tpu.dma_semaphore, #tpu.memory_space<semaphore_mem>>) src(%dma_wait3A_110 : memref<10000x16xf32, #tpu.memory_space<hbm>>) dst(%dma_wait3A_104 : memref<128x16xf32, #tpu.memory_space<vmem>>)
      %dma_start3A_111 = arith.constant 1 : i32
      %dma_start3A_112 = arith.constant 0 : i32
      %dma_start3A_113 = arith.constant 0 : i32
      %dma_start3A_114 = tpu.memref_slice %arg9[%dma_start3A_111, %dma_start3A_112, %dma_start3A_113] : memref<4x128x16xf32, #tpu.memory_space<vmem>> -> memref<1x128x16xf32, #tpu.memory_space<vmem>>
      %dma_start3A_115 = tpu.memref_squeeze %dma_start3A_114 : memref<1x128x16xf32, #tpu.memory_space<vmem>> -> memref<128x16xf32, #tpu.memory_space<vmem>>
      %dma_start3A_116 = arith.constant 0 : i32
      %dma_start3A_117 = tpu.memref_slice %arg8[%add3A_99, %dma_start3A_116] : memref<80x128xi32, #tpu.memory_space<vmem>> -> memref<1x128xi32, #tpu.memory_space<vmem>>
      %dma_start3A_118 = tpu.memref_squeeze %dma_start3A_117 : memref<1x128xi32, #tpu.memory_space<vmem>> -> memref<128xi32, #tpu.memory_space<vmem>>
      %dma_start3A_119 = arith.constant 0 : i32
      %dma_start3A_120 = arith.constant 0 : i32
      %dma_start3A_121 = tpu.memref_slice %arg10[%dma_start3A_119, %dma_start3A_120] : memref<10240x16xf32, #tpu.memory_space<vmem_shared>> -> memref<10240x16xf32, #tpu.memory_space<vmem_shared>>
      tpu.enqueue_indirect_dma source(%dma_start3A_115 : memref<128x16xf32, #tpu.memory_space<vmem>>) target(%dma_start3A_121 : memref<10240x16xf32, #tpu.memory_space<vmem_shared>>) offsets(%dma_start3A_118 : memref<128xi32, #tpu.memory_space<vmem>>) semaphore(%arg12 : memref<!tpu.dma_semaphore, #tpu.memory_space<semaphore_mem>>) {add = true}
      %ge3A_122 = arith.constant 2 : i32
      %ge3A_123 = arith.cmpi sge, %add3A_99, %ge3A_122 : i32
      %convert_element_type3A_124 = arith.extui %ge3A_123 : i1 to i32
      %cond3A_125 = arith.constant 0 : i32
      %cond3A_126 = arith.cmpi ne, %convert_element_type3A_124, %cond3A_125 : i32
      scf.if %cond3A_126 {
        %sub3A = arith.constant 2 : i32
        %sub3A_210 = arith.subi %add3A_99, %sub3A : i32
        %dma_wait3A_211 = arith.constant 3 : i32
        %dma_wait3A_212 = arith.constant 0 : i32
        %dma_wait3A_213 = arith.constant 0 : i32
        %dma_wait3A_214 = tpu.memref_slice %arg9[%dma_wait3A_211, %dma_wait3A_212, %dma_wait3A_213] : memref<4x128x16xf32, #tpu.memory_space<vmem>> -> memref<1x128x16xf32, #tpu.memory_space<vmem>>
        %dma_wait3A_215 = tpu.memref_squeeze %dma_wait3A_214 : memref<1x128x16xf32, #tpu.memory_space<vmem>> -> memref<128x16xf32, #tpu.memory_space<vmem>>
        %dma_wait3A_216 = arith.constant 0 : i32
        %dma_wait3A_217 = tpu.memref_slice %arg8[%sub3A_210, %dma_wait3A_216] : memref<80x128xi32, #tpu.memory_space<vmem>> -> memref<1x128xi32, #tpu.memory_space<vmem>>
        %dma_wait3A_218 = tpu.memref_squeeze %dma_wait3A_217 : memref<1x128xi32, #tpu.memory_space<vmem>> -> memref<128xi32, #tpu.memory_space<vmem>>
        %dma_wait3A_219 = arith.constant 0 : i32
        %dma_wait3A_220 = arith.constant 0 : i32
        %dma_wait3A_221 = tpu.memref_slice %arg10[%dma_wait3A_219, %dma_wait3A_220] : memref<10240x16xf32, #tpu.memory_space<vmem_shared>> -> memref<10240x16xf32, #tpu.memory_space<vmem_shared>>
        tpu.wait_indirect_dma semaphore(%arg14 : memref<!tpu.dma_semaphore, #tpu.memory_space<semaphore_mem>>) src(%dma_wait3A_215 : memref<128x16xf32, #tpu.memory_space<vmem>>) dst(%dma_wait3A_221 : memref<10240x16xf32, #tpu.memory_space<vmem_shared>>)
      } else {
      }
      %add3A_127 = arith.constant 2 : i32
      %add3A_128 = arith.addi %add3A_99, %add3A_127 : i32
      %lt3A_129 = arith.constant 80 : i32
      %lt3A_130 = arith.cmpi slt, %add3A_128, %lt3A_129 : i32
      %convert_element_type3A_131 = arith.extui %lt3A_130 : i1 to i32
      %cond3A_132 = arith.constant 0 : i32
      %cond3A_133 = arith.cmpi ne, %convert_element_type3A_131, %cond3A_132 : i32
      scf.if %cond3A_133 {
        %add3A_210 = arith.constant 2 : i32
        %add3A_211 = arith.addi %add3A_99, %add3A_210 : i32
        %dma_start3A_212 = arith.constant 3 : i32
        %dma_start3A_213 = arith.constant 0 : i32
        %dma_start3A_214 = arith.constant 0 : i32
        %dma_start3A_215 = tpu.memref_slice %arg9[%dma_start3A_212, %dma_start3A_213, %dma_start3A_214] : memref<4x128x16xf32, #tpu.memory_space<vmem>> -> memref<1x128x16xf32, #tpu.memory_space<vmem>>
        %dma_start3A_216 = tpu.memref_squeeze %dma_start3A_215 : memref<1x128x16xf32, #tpu.memory_space<vmem>> -> memref<128x16xf32, #tpu.memory_space<vmem>>
        %dma_start3A_217 = arith.constant 0 : i32
        %dma_start3A_218 = tpu.memref_slice %arg7[%add3A_211, %dma_start3A_217] : memref<80x128xi32, #tpu.memory_space<vmem>> -> memref<1x128xi32, #tpu.memory_space<vmem>>
        %dma_start3A_219 = tpu.memref_squeeze %dma_start3A_218 : memref<1x128xi32, #tpu.memory_space<vmem>> -> memref<128xi32, #tpu.memory_space<vmem>>
        %dma_start3A_220 = arith.constant 0 : i32
        %dma_start3A_221 = arith.constant 0 : i32
        %dma_start3A_222 = tpu.memref_slice %arg2[%dma_start3A_220, %dma_start3A_221] : memref<10000x16xf32, #tpu.memory_space<hbm>> -> memref<10000x16xf32, #tpu.memory_space<hbm>>
        tpu.enqueue_indirect_dma source(%dma_start3A_222 : memref<10000x16xf32, #tpu.memory_space<hbm>>) target(%dma_start3A_216 : memref<128x16xf32, #tpu.memory_space<vmem>>) offsets(%dma_start3A_219 : memref<128xi32, #tpu.memory_space<vmem>>) semaphore(%arg14 : memref<!tpu.dma_semaphore, #tpu.memory_space<semaphore_mem>>)
      } else {
      }
      %mul3A_134 = arith.constant 4 : i32
      %mul3A_135 = arith.muli %scan3A_61, %mul3A_134 : i32
      %add3A_136 = arith.constant 2 : i32
      %add3A_137 = arith.addi %mul3A_135, %add3A_136 : i32
      %dma_wait3A_138 = arith.constant 2 : i32
      %dma_wait3A_139 = arith.constant 0 : i32
      %dma_wait3A_140 = arith.constant 0 : i32
      %dma_wait3A_141 = tpu.memref_slice %arg9[%dma_wait3A_138, %dma_wait3A_139, %dma_wait3A_140] : memref<4x128x16xf32, #tpu.memory_space<vmem>> -> memref<1x128x16xf32, #tpu.memory_space<vmem>>
      %dma_wait3A_142 = tpu.memref_squeeze %dma_wait3A_141 : memref<1x128x16xf32, #tpu.memory_space<vmem>> -> memref<128x16xf32, #tpu.memory_space<vmem>>
      %dma_wait3A_143 = arith.constant 0 : i32
      %dma_wait3A_144 = tpu.memref_slice %arg7[%add3A_137, %dma_wait3A_143] : memref<80x128xi32, #tpu.memory_space<vmem>> -> memref<1x128xi32, #tpu.memory_space<vmem>>
      %dma_wait3A_145 = tpu.memref_squeeze %dma_wait3A_144 : memref<1x128xi32, #tpu.memory_space<vmem>> -> memref<128xi32, #tpu.memory_space<vmem>>
      %dma_wait3A_146 = arith.constant 0 : i32
      %dma_wait3A_147 = arith.constant 0 : i32
      %dma_wait3A_148 = tpu.memref_slice %arg2[%dma_wait3A_146, %dma_wait3A_147] : memref<10000x16xf32, #tpu.memory_space<hbm>> -> memref<10000x16xf32, #tpu.memory_space<hbm>>
      tpu.wait_indirect_dma semaphore(%arg13 : memref<!tpu.dma_semaphore, #tpu.memory_space<semaphore_mem>>) src(%dma_wait3A_148 : memref<10000x16xf32, #tpu.memory_space<hbm>>) dst(%dma_wait3A_142 : memref<128x16xf32, #tpu.memory_space<vmem>>)
      %dma_start3A_149 = arith.constant 2 : i32
      %dma_start3A_150 = arith.constant 0 : i32
      %dma_start3A_151 = arith.constant 0 : i32
      %dma_start3A_152 = tpu.memref_slice %arg9[%dma_start3A_149, %dma_start3A_150, %dma_start3A_151] : memref<4x128x16xf32, #tpu.memory_space<vmem>> -> memref<1x128x16xf32, #tpu.memory_space<vmem>>
      %dma_start3A_153 = tpu.memref_squeeze %dma_start3A_152 : memref<1x128x16xf32, #tpu.memory_space<vmem>> -> memref<128x16xf32, #tpu.memory_space<vmem>>
      %dma_start3A_154 = arith.constant 0 : i32
      %dma_start3A_155 = tpu.memref_slice %arg8[%add3A_137, %dma_start3A_154] : memref<80x128xi32, #tpu.memory_space<vmem>> -> memref<1x128xi32, #tpu.memory_space<vmem>>
      %dma_start3A_156 = tpu.memref_squeeze %dma_start3A_155 : memref<1x128xi32, #tpu.memory_space<vmem>> -> memref<128xi32, #tpu.memory_space<vmem>>
      %dma_start3A_157 = arith.constant 0 : i32
      %dma_start3A_158 = arith.constant 0 : i32
      %dma_start3A_159 = tpu.memref_slice %arg10[%dma_start3A_157, %dma_start3A_158] : memref<10240x16xf32, #tpu.memory_space<vmem_shared>> -> memref<10240x16xf32, #tpu.memory_space<vmem_shared>>
      tpu.enqueue_indirect_dma source(%dma_start3A_153 : memref<128x16xf32, #tpu.memory_space<vmem>>) target(%dma_start3A_159 : memref<10240x16xf32, #tpu.memory_space<vmem_shared>>) offsets(%dma_start3A_156 : memref<128xi32, #tpu.memory_space<vmem>>) semaphore(%arg13 : memref<!tpu.dma_semaphore, #tpu.memory_space<semaphore_mem>>) {add = true}
      %ge3A_160 = arith.constant 2 : i32
      %ge3A_161 = arith.cmpi sge, %add3A_137, %ge3A_160 : i32
      %convert_element_type3A_162 = arith.extui %ge3A_161 : i1 to i32
      %cond3A_163 = arith.constant 0 : i32
      %cond3A_164 = arith.cmpi ne, %convert_element_type3A_162, %cond3A_163 : i32
      scf.if %cond3A_164 {
        %sub3A = arith.constant 2 : i32
        %sub3A_210 = arith.subi %add3A_137, %sub3A : i32
        %dma_wait3A_211 = arith.constant 0 : i32
        %dma_wait3A_212 = arith.constant 0 : i32
        %dma_wait3A_213 = arith.constant 0 : i32
        %dma_wait3A_214 = tpu.memref_slice %arg9[%dma_wait3A_211, %dma_wait3A_212, %dma_wait3A_213] : memref<4x128x16xf32, #tpu.memory_space<vmem>> -> memref<1x128x16xf32, #tpu.memory_space<vmem>>
        %dma_wait3A_215 = tpu.memref_squeeze %dma_wait3A_214 : memref<1x128x16xf32, #tpu.memory_space<vmem>> -> memref<128x16xf32, #tpu.memory_space<vmem>>
        %dma_wait3A_216 = arith.constant 0 : i32
        %dma_wait3A_217 = tpu.memref_slice %arg8[%sub3A_210, %dma_wait3A_216] : memref<80x128xi32, #tpu.memory_space<vmem>> -> memref<1x128xi32, #tpu.memory_space<vmem>>
        %dma_wait3A_218 = tpu.memref_squeeze %dma_wait3A_217 : memref<1x128xi32, #tpu.memory_space<vmem>> -> memref<128xi32, #tpu.memory_space<vmem>>
        %dma_wait3A_219 = arith.constant 0 : i32
        %dma_wait3A_220 = arith.constant 0 : i32
        %dma_wait3A_221 = tpu.memref_slice %arg10[%dma_wait3A_219, %dma_wait3A_220] : memref<10240x16xf32, #tpu.memory_space<vmem_shared>> -> memref<10240x16xf32, #tpu.memory_space<vmem_shared>>
        tpu.wait_indirect_dma semaphore(%arg11 : memref<!tpu.dma_semaphore, #tpu.memory_space<semaphore_mem>>) src(%dma_wait3A_215 : memref<128x16xf32, #tpu.memory_space<vmem>>) dst(%dma_wait3A_221 : memref<10240x16xf32, #tpu.memory_space<vmem_shared>>)
      } else {
      }
      %add3A_165 = arith.constant 2 : i32
      %add3A_166 = arith.addi %add3A_137, %add3A_165 : i32
      %lt3A_167 = arith.constant 80 : i32
      %lt3A_168 = arith.cmpi slt, %add3A_166, %lt3A_167 : i32
      %convert_element_type3A_169 = arith.extui %lt3A_168 : i1 to i32
      %cond3A_170 = arith.constant 0 : i32
      %cond3A_171 = arith.cmpi ne, %convert_element_type3A_169, %cond3A_170 : i32
      scf.if %cond3A_171 {
        %add3A_210 = arith.constant 2 : i32
        %add3A_211 = arith.addi %add3A_137, %add3A_210 : i32
        %dma_start3A_212 = arith.constant 0 : i32
        %dma_start3A_213 = arith.constant 0 : i32
        %dma_start3A_214 = arith.constant 0 : i32
        %dma_start3A_215 = tpu.memref_slice %arg9[%dma_start3A_212, %dma_start3A_213, %dma_start3A_214] : memref<4x128x16xf32, #tpu.memory_space<vmem>> -> memref<1x128x16xf32, #tpu.memory_space<vmem>>
        %dma_start3A_216 = tpu.memref_squeeze %dma_start3A_215 : memref<1x128x16xf32, #tpu.memory_space<vmem>> -> memref<128x16xf32, #tpu.memory_space<vmem>>
        %dma_start3A_217 = arith.constant 0 : i32
        %dma_start3A_218 = tpu.memref_slice %arg7[%add3A_211, %dma_start3A_217] : memref<80x128xi32, #tpu.memory_space<vmem>> -> memref<1x128xi32, #tpu.memory_space<vmem>>
        %dma_start3A_219 = tpu.memref_squeeze %dma_start3A_218 : memref<1x128xi32, #tpu.memory_space<vmem>> -> memref<128xi32, #tpu.memory_space<vmem>>
        %dma_start3A_220 = arith.constant 0 : i32
        %dma_start3A_221 = arith.constant 0 : i32
        %dma_start3A_222 = tpu.memref_slice %arg2[%dma_start3A_220, %dma_start3A_221] : memref<10000x16xf32, #tpu.memory_space<hbm>> -> memref<10000x16xf32, #tpu.memory_space<hbm>>
        tpu.enqueue_indirect_dma source(%dma_start3A_222 : memref<10000x16xf32, #tpu.memory_space<hbm>>) target(%dma_start3A_216 : memref<128x16xf32, #tpu.memory_space<vmem>>) offsets(%dma_start3A_219 : memref<128xi32, #tpu.memory_space<vmem>>) semaphore(%arg11 : memref<!tpu.dma_semaphore, #tpu.memory_space<semaphore_mem>>)
      } else {
      }
      %mul3A_172 = arith.constant 4 : i32
      %mul3A_173 = arith.muli %scan3A_61, %mul3A_172 : i32
      %add3A_174 = arith.constant 3 : i32
      %add3A_175 = arith.addi %mul3A_173, %add3A_174 : i32
      %dma_wait3A_176 = arith.constant 3 : i32
      %dma_wait3A_177 = arith.constant 0 : i32
      %dma_wait3A_178 = arith.constant 0 : i32
      %dma_wait3A_179 = tpu.memref_slice %arg9[%dma_wait3A_176, %dma_wait3A_177, %dma_wait3A_178] : memref<4x128x16xf32, #tpu.memory_space<vmem>> -> memref<1x128x16xf32, #tpu.memory_space<vmem>>
      %dma_wait3A_180 = tpu.memref_squeeze %dma_wait3A_179 : memref<1x128x16xf32, #tpu.memory_space<vmem>> -> memref<128x16xf32, #tpu.memory_space<vmem>>
      %dma_wait3A_181 = arith.constant 0 : i32
      %dma_wait3A_182 = tpu.memref_slice %arg7[%add3A_175, %dma_wait3A_181] : memref<80x128xi32, #tpu.memory_space<vmem>> -> memref<1x128xi32, #tpu.memory_space<vmem>>
      %dma_wait3A_183 = tpu.memref_squeeze %dma_wait3A_182 : memref<1x128xi32, #tpu.memory_space<vmem>> -> memref<128xi32, #tpu.memory_space<vmem>>
      %dma_wait3A_184 = arith.constant 0 : i32
      %dma_wait3A_185 = arith.constant 0 : i32
      %dma_wait3A_186 = tpu.memref_slice %arg2[%dma_wait3A_184, %dma_wait3A_185] : memref<10000x16xf32, #tpu.memory_space<hbm>> -> memref<10000x16xf32, #tpu.memory_space<hbm>>
      tpu.wait_indirect_dma semaphore(%arg14 : memref<!tpu.dma_semaphore, #tpu.memory_space<semaphore_mem>>) src(%dma_wait3A_186 : memref<10000x16xf32, #tpu.memory_space<hbm>>) dst(%dma_wait3A_180 : memref<128x16xf32, #tpu.memory_space<vmem>>)
      %dma_start3A_187 = arith.constant 3 : i32
      %dma_start3A_188 = arith.constant 0 : i32
      %dma_start3A_189 = arith.constant 0 : i32
      %dma_start3A_190 = tpu.memref_slice %arg9[%dma_start3A_187, %dma_start3A_188, %dma_start3A_189] : memref<4x128x16xf32, #tpu.memory_space<vmem>> -> memref<1x128x16xf32, #tpu.memory_space<vmem>>
      %dma_start3A_191 = tpu.memref_squeeze %dma_start3A_190 : memref<1x128x16xf32, #tpu.memory_space<vmem>> -> memref<128x16xf32, #tpu.memory_space<vmem>>
      %dma_start3A_192 = arith.constant 0 : i32
      %dma_start3A_193 = tpu.memref_slice %arg8[%add3A_175, %dma_start3A_192] : memref<80x128xi32, #tpu.memory_space<vmem>> -> memref<1x128xi32, #tpu.memory_space<vmem>>
      %dma_start3A_194 = tpu.memref_squeeze %dma_start3A_193 : memref<1x128xi32, #tpu.memory_space<vmem>> -> memref<128xi32, #tpu.memory_space<vmem>>
      %dma_start3A_195 = arith.constant 0 : i32
      %dma_start3A_196 = arith.constant 0 : i32
      %dma_start3A_197 = tpu.memref_slice %arg10[%dma_start3A_195, %dma_start3A_196] : memref<10240x16xf32, #tpu.memory_space<vmem_shared>> -> memref<10240x16xf32, #tpu.memory_space<vmem_shared>>
      tpu.enqueue_indirect_dma source(%dma_start3A_191 : memref<128x16xf32, #tpu.memory_space<vmem>>) target(%dma_start3A_197 : memref<10240x16xf32, #tpu.memory_space<vmem_shared>>) offsets(%dma_start3A_194 : memref<128xi32, #tpu.memory_space<vmem>>) semaphore(%arg14 : memref<!tpu.dma_semaphore, #tpu.memory_space<semaphore_mem>>) {add = true}
      %ge3A_198 = arith.constant 2 : i32
      %ge3A_199 = arith.cmpi sge, %add3A_175, %ge3A_198 : i32
      %convert_element_type3A_200 = arith.extui %ge3A_199 : i1 to i32
      %cond3A_201 = arith.constant 0 : i32
      %cond3A_202 = arith.cmpi ne, %convert_element_type3A_200, %cond3A_201 : i32
      scf.if %cond3A_202 {
        %sub3A = arith.constant 2 : i32
        %sub3A_210 = arith.subi %add3A_175, %sub3A : i32
        %dma_wait3A_211 = arith.constant 1 : i32
        %dma_wait3A_212 = arith.constant 0 : i32
        %dma_wait3A_213 = arith.constant 0 : i32
        %dma_wait3A_214 = tpu.memref_slice %arg9[%dma_wait3A_211, %dma_wait3A_212, %dma_wait3A_213] : memref<4x128x16xf32, #tpu.memory_space<vmem>> -> memref<1x128x16xf32, #tpu.memory_space<vmem>>
        %dma_wait3A_215 = tpu.memref_squeeze %dma_wait3A_214 : memref<1x128x16xf32, #tpu.memory_space<vmem>> -> memref<128x16xf32, #tpu.memory_space<vmem>>
        %dma_wait3A_216 = arith.constant 0 : i32
        %dma_wait3A_217 = tpu.memref_slice %arg8[%sub3A_210, %dma_wait3A_216] : memref<80x128xi32, #tpu.memory_space<vmem>> -> memref<1x128xi32, #tpu.memory_space<vmem>>
        %dma_wait3A_218 = tpu.memref_squeeze %dma_wait3A_217 : memref<1x128xi32, #tpu.memory_space<vmem>> -> memref<128xi32, #tpu.memory_space<vmem>>
        %dma_wait3A_219 = arith.constant 0 : i32
        %dma_wait3A_220 = arith.constant 0 : i32
        %dma_wait3A_221 = tpu.memref_slice %arg10[%dma_wait3A_219, %dma_wait3A_220] : memref<10240x16xf32, #tpu.memory_space<vmem_shared>> -> memref<10240x16xf32, #tpu.memory_space<vmem_shared>>
        tpu.wait_indirect_dma semaphore(%arg12 : memref<!tpu.dma_semaphore, #tpu.memory_space<semaphore_mem>>) src(%dma_wait3A_215 : memref<128x16xf32, #tpu.memory_space<vmem>>) dst(%dma_wait3A_221 : memref<10240x16xf32, #tpu.memory_space<vmem_shared>>)
      } else {
      }
      %add3A_203 = arith.constant 2 : i32
      %add3A_204 = arith.addi %add3A_175, %add3A_203 : i32
      %lt3A_205 = arith.constant 80 : i32
      %lt3A_206 = arith.cmpi slt, %add3A_204, %lt3A_205 : i32
      %convert_element_type3A_207 = arith.extui %lt3A_206 : i1 to i32
      %cond3A_208 = arith.constant 0 : i32
      %cond3A_209 = arith.cmpi ne, %convert_element_type3A_207, %cond3A_208 : i32
      scf.if %cond3A_209 {
        %add3A_210 = arith.constant 2 : i32
        %add3A_211 = arith.addi %add3A_175, %add3A_210 : i32
        %dma_start3A_212 = arith.constant 1 : i32
        %dma_start3A_213 = arith.constant 0 : i32
        %dma_start3A_214 = arith.constant 0 : i32
        %dma_start3A_215 = tpu.memref_slice %arg9[%dma_start3A_212, %dma_start3A_213, %dma_start3A_214] : memref<4x128x16xf32, #tpu.memory_space<vmem>> -> memref<1x128x16xf32, #tpu.memory_space<vmem>>
        %dma_start3A_216 = tpu.memref_squeeze %dma_start3A_215 : memref<1x128x16xf32, #tpu.memory_space<vmem>> -> memref<128x16xf32, #tpu.memory_space<vmem>>
        %dma_start3A_217 = arith.constant 0 : i32
        %dma_start3A_218 = tpu.memref_slice %arg7[%add3A_211, %dma_start3A_217] : memref<80x128xi32, #tpu.memory_space<vmem>> -> memref<1x128xi32, #tpu.memory_space<vmem>>
        %dma_start3A_219 = tpu.memref_squeeze %dma_start3A_218 : memref<1x128xi32, #tpu.memory_space<vmem>> -> memref<128xi32, #tpu.memory_space<vmem>>
        %dma_start3A_220 = arith.constant 0 : i32
        %dma_start3A_221 = arith.constant 0 : i32
        %dma_start3A_222 = tpu.memref_slice %arg2[%dma_start3A_220, %dma_start3A_221] : memref<10000x16xf32, #tpu.memory_space<hbm>> -> memref<10000x16xf32, #tpu.memory_space<hbm>>
        tpu.enqueue_indirect_dma source(%dma_start3A_222 : memref<10000x16xf32, #tpu.memory_space<hbm>>) target(%dma_start3A_216 : memref<128x16xf32, #tpu.memory_space<vmem>>) offsets(%dma_start3A_219 : memref<128xi32, #tpu.memory_space<vmem>>) semaphore(%arg12 : memref<!tpu.dma_semaphore, #tpu.memory_space<semaphore_mem>>)
      } else {
      }
    }
    %scan3A_32 = arith.constant 20 : i32
    %dma_wait3A = arith.constant 2 : i32
    %dma_wait3A_33 = arith.constant 78 : i32
    %dma_wait3A_34 = arith.constant 0 : i32
    %dma_wait3A_35 = arith.constant 0 : i32
    %dma_wait3A_36 = tpu.memref_slice %arg9[%dma_wait3A, %dma_wait3A_34, %dma_wait3A_35] : memref<4x128x16xf32, #tpu.memory_space<vmem>> -> memref<1x128x16xf32, #tpu.memory_space<vmem>>
    %dma_wait3A_37 = tpu.memref_squeeze %dma_wait3A_36 : memref<1x128x16xf32, #tpu.memory_space<vmem>> -> memref<128x16xf32, #tpu.memory_space<vmem>>
    %dma_wait3A_38 = arith.constant 0 : i32
    %dma_wait3A_39 = tpu.memref_slice %arg8[%dma_wait3A_33, %dma_wait3A_38] : memref<80x128xi32, #tpu.memory_space<vmem>> -> memref<1x128xi32, #tpu.memory_space<vmem>>
    %dma_wait3A_40 = tpu.memref_squeeze %dma_wait3A_39 : memref<1x128xi32, #tpu.memory_space<vmem>> -> memref<128xi32, #tpu.memory_space<vmem>>
    %dma_wait3A_41 = arith.constant 0 : i32
    %dma_wait3A_42 = arith.constant 0 : i32
    %dma_wait3A_43 = tpu.memref_slice %arg10[%dma_wait3A_41, %dma_wait3A_42] : memref<10240x16xf32, #tpu.memory_space<vmem_shared>> -> memref<10240x16xf32, #tpu.memory_space<vmem_shared>>
    tpu.wait_indirect_dma semaphore(%arg13 : memref<!tpu.dma_semaphore, #tpu.memory_space<semaphore_mem>>) src(%dma_wait3A_37 : memref<128x16xf32, #tpu.memory_space<vmem>>) dst(%dma_wait3A_43 : memref<10240x16xf32, #tpu.memory_space<vmem_shared>>)
    %dma_wait3A_44 = arith.constant 3 : i32
    %dma_wait3A_45 = arith.constant 79 : i32
    %dma_wait3A_46 = arith.constant 0 : i32
    %dma_wait3A_47 = arith.constant 0 : i32
    %dma_wait3A_48 = tpu.memref_slice %arg9[%dma_wait3A_44, %dma_wait3A_46, %dma_wait3A_47] : memref<4x128x16xf32, #tpu.memory_space<vmem>> -> memref<1x128x16xf32, #tpu.memory_space<vmem>>
    %dma_wait3A_49 = tpu.memref_squeeze %dma_wait3A_48 : memref<1x128x16xf32, #tpu.memory_space<vmem>> -> memref<128x16xf32, #tpu.memory_space<vmem>>
    %dma_wait3A_50 = arith.constant 0 : i32
    %dma_wait3A_51 = tpu.memref_slice %arg8[%dma_wait3A_45, %dma_wait3A_50] : memref<80x128xi32, #tpu.memory_space<vmem>> -> memref<1x128xi32, #tpu.memory_space<vmem>>
    %dma_wait3A_52 = tpu.memref_squeeze %dma_wait3A_51 : memref<1x128xi32, #tpu.memory_space<vmem>> -> memref<128xi32, #tpu.memory_space<vmem>>
    %dma_wait3A_53 = arith.constant 0 : i32
    %dma_wait3A_54 = arith.constant 0 : i32
    %dma_wait3A_55 = tpu.memref_slice %arg10[%dma_wait3A_53, %dma_wait3A_54] : memref<10240x16xf32, #tpu.memory_space<vmem_shared>> -> memref<10240x16xf32, #tpu.memory_space<vmem_shared>>
    tpu.wait_indirect_dma semaphore(%arg14 : memref<!tpu.dma_semaphore, #tpu.memory_space<semaphore_mem>>) src(%dma_wait3A_49 : memref<128x16xf32, #tpu.memory_space<vmem>>) dst(%dma_wait3A_55 : memref<10240x16xf32, #tpu.memory_space<vmem_shared>>)
    %barrier3A_56 = arith.constant 0 : index
    tpu.barrier barrier_id(%barrier3A_56)
    %mul3A_57 = arith.constant 640 : i32
    %mul3A_58 = arith.muli %arg1, %mul3A_57 : i32
    %mul3A_59 = arith.constant 640 : i32
    %mul3A_60 = arith.muli %arg1, %mul3A_59 : i32
    "tpu.region"() ({
      %run_scoped3A = tpu.sem_alloc : memref<!tpu.dma_semaphore, #tpu.memory_space<semaphore_mem>>
      %dma_start3A_61 = arith.constant 0 : i32
      %dma_start3A_62 = arith.constant 0 : i32
      %dma_start3A_63 = tpu.memref_slice %arg6[%arg0, %dma_start3A_61, %dma_start3A_62] : memref<2x10240x16xf32, #tpu.memory_space<hbm>> -> memref<1x10240x16xf32, #tpu.memory_space<hbm>>
      %dma_start3A_64 = tpu.memref_squeeze %dma_start3A_63 : memref<1x10240x16xf32, #tpu.memory_space<hbm>> -> memref<10240x16xf32, #tpu.memory_space<hbm>>
      %dma_start3A_65 = arith.constant 0 : i32
      %dma_start3A_66 = tpu.memref_slice %dma_start3A_64[%mul3A_60, %dma_start3A_65] : memref<10240x16xf32, #tpu.memory_space<hbm>> -> memref<640x16xf32, #tpu.memory_space<hbm>>
      %dma_start3A_67 = arith.constant 0 : i32
      %dma_start3A_68 = tpu.memref_slice %arg10[%mul3A_58, %dma_start3A_67] : memref<10240x16xf32, #tpu.memory_space<vmem_shared>> -> memref<640x16xf32, #tpu.memory_space<vmem_shared>>
      tpu.enqueue_dma source(%dma_start3A_68 : memref<640x16xf32, #tpu.memory_space<vmem_shared>>) target(%dma_start3A_66 : memref<640x16xf32, #tpu.memory_space<hbm>>) target_semaphore(%run_scoped3A : memref<!tpu.dma_semaphore, #tpu.memory_space<semaphore_mem>>)
      %dma_wait3A_69 = arith.constant 0 : i32
      %dma_wait3A_70 = arith.constant 0 : i32
      %dma_wait3A_71 = tpu.memref_slice %arg6[%arg0, %dma_wait3A_69, %dma_wait3A_70] : memref<2x10240x16xf32, #tpu.memory_space<hbm>> -> memref<1x10240x16xf32, #tpu.memory_space<hbm>>
      %dma_wait3A_72 = tpu.memref_squeeze %dma_wait3A_71 : memref<1x10240x16xf32, #tpu.memory_space<hbm>> -> memref<10240x16xf32, #tpu.memory_space<hbm>>
      %dma_wait3A_73 = arith.constant 0 : i32
      %dma_wait3A_74 = tpu.memref_slice %dma_wait3A_72[%mul3A_60, %dma_wait3A_73] : memref<10240x16xf32, #tpu.memory_space<hbm>> -> memref<640x16xf32, #tpu.memory_space<hbm>>
      %dma_wait3A_75 = arith.constant 0 : i32
      %dma_wait3A_76 = tpu.memref_slice %arg10[%mul3A_58, %dma_wait3A_75] : memref<10240x16xf32, #tpu.memory_space<vmem_shared>> -> memref<640x16xf32, #tpu.memory_space<vmem_shared>>
      tpu.wait_dma2 semaphore(%run_scoped3A : memref<!tpu.dma_semaphore, #tpu.memory_space<semaphore_mem>>) src(%dma_wait3A_76 : memref<640x16xf32, #tpu.memory_space<vmem_shared>>) dst(%dma_wait3A_74 : memref<640x16xf32, #tpu.memory_space<hbm>>)
      tpu.yield
    }) : () -> ()
    return
  }
}

module attributes {stable_mosaic.version = 14 : i64} {
  func.func @_tc_mm1_body(%arg0: memref<10000x128xf32, #tpu.memory_space<vmem>>, %arg1: memref<128x16xf32, #tpu.memory_space<vmem>>, %arg2: memref<10000x16xf32, #tpu.memory_space<vmem>>) attributes {dimension_semantics = [], scalar_prefetch = 0 : i64, scratch_operands = 0 : i64, tpu.core_type = #tpu.core_type<tc>} {
    %get3A = arith.constant 0 : index
    %get3A_0 = arith.constant 0 : index
    %get3A_1 = vector.load %arg0[%get3A, %get3A_0] : memref<10000x128xf32, #tpu.memory_space<vmem>>, vector<10000x128xf32>
    %get3A_2 = arith.constant 0 : index
    %get3A_3 = arith.constant 0 : index
    %get3A_4 = vector.load %arg1[%get3A_2, %get3A_3] : memref<128x16xf32, #tpu.memory_space<vmem>>, vector<128x16xf32>
    %dot_general3A = arith.constant dense<0.000000e+00> : vector<10000x16xf32>
    %dot_general3A_5 = tpu.matmul %get3A_1, %get3A_4, %dot_general3A {dimension_numbers = #tpu.dot_dimension_numbers<[1], [0], [0], [1], [0, 0, 1, 1], [], []>, transpose_lhs_hint = false} : vector<10000x128xf32>, vector<128x16xf32>, vector<10000x16xf32> -> vector<10000x16xf32>
    %swap3A = arith.constant 0 : index
    %swap3A_6 = arith.constant 0 : index
    %swap3A_7 = vector.load %arg2[%swap3A, %swap3A_6] : memref<10000x16xf32, #tpu.memory_space<vmem>>, vector<10000x16xf32>
    tpu.vector_store %arg2[%swap3A, %swap3A_6], %dot_general3A_5 {strides = array<i32>} : memref<10000x16xf32, #tpu.memory_space<vmem>>, vector<10000x16xf32>,
    return
  }
}

module attributes {stable_mosaic.version = 14 : i64} {
  func.func @_tc_scale_body(%arg0: memref<2x10240x1xf32, #tpu.memory_space<vmem>>, %arg1: memref<10000x16xf32, #tpu.memory_space<vmem>>, %arg2: memref<10000x16xf32, #tpu.memory_space<vmem>>) attributes {dimension_semantics = [], scalar_prefetch = 0 : i64, scratch_operands = 0 : i64, tpu.core_type = #tpu.core_type<tc>} {
    %get3A = arith.constant 0 : index
    %get3A_0 = arith.constant 0 : index
    %get3A_1 = vector.load %arg1[%get3A, %get3A_0] : memref<10000x16xf32, #tpu.memory_space<vmem>>, vector<10000x16xf32>
    %get3A_2 = arith.constant 0 : index
    %get3A_3 = arith.constant 0 : index
    %get3A_4 = arith.constant 0 : index
    %get3A_5 = vector.load %arg0[%get3A_2, %get3A_3, %get3A_4] : memref<2x10240x1xf32, #tpu.memory_space<vmem>>, vector<1x10240x1xf32>
    %get3A_6 = vector.shape_cast %get3A_5 : vector<1x10240x1xf32> to vector<10240x1xf32>
    %get3A_7 = arith.constant 1 : index
    %get3A_8 = arith.constant 0 : index
    %get3A_9 = arith.constant 0 : index
    %get3A_10 = vector.load %arg0[%get3A_7, %get3A_8, %get3A_9] : memref<2x10240x1xf32, #tpu.memory_space<vmem>>, vector<1x10240x1xf32>
    %get3A_11 = vector.shape_cast %get3A_10 : vector<1x10240x1xf32> to vector<10240x1xf32>
    %add3A = arith.addf %get3A_6, %get3A_11 : vector<10240x1xf32>
    %add3A_12 = arith.constant 1.000000e+00 : f32
    %add3A_13 = vector.broadcast %add3A_12 : f32 to vector<10240x1xf32>
    %add3A_14 = arith.addf %add3A, %add3A_13 : vector<10240x1xf32>
    %rsqrt3A = math.rsqrt %add3A_14 : vector<10240x1xf32>
    %slice3A = vector.extract_strided_slice %rsqrt3A {offsets = [0, 0], sizes = [10000, 1], strides = [1, 1]} : vector<10240x1xf32> to vector<10000x1xf32>
    %mul3A = vector.broadcast %slice3A : vector<10000x1xf32> to vector<10000x16xf32>
    %mul3A_15 = arith.mulf %get3A_1, %mul3A : vector<10000x16xf32>
    %swap3A = arith.constant 0 : index
    %swap3A_16 = arith.constant 0 : index
    %swap3A_17 = vector.load %arg2[%swap3A, %swap3A_16] : memref<10000x16xf32, #tpu.memory_space<vmem>>, vector<10000x16xf32>
    tpu.vector_store %arg2[%swap3A, %swap3A_16], %mul3A_15 {strides = array<i32>} : memref<10000x16xf32, #tpu.memory_space<vmem>>, vector<10000x16xf32>,
    return
  }
}

module attributes {stable_mosaic.version = 14 : i64} {
  func.func @_tc_mid_body(%arg0: memref<2x10240x1xf32, #tpu.memory_space<vmem>>, %arg1: memref<2x10240x16xf32, #tpu.memory_space<vmem>>, %arg2: memref<10000x16xf32, #tpu.memory_space<vmem>>, %arg3: memref<1x16xf32, #tpu.memory_space<vmem>>, %arg4: memref<10000x16xf32, #tpu.memory_space<vmem>>) attributes {dimension_semantics = [], scalar_prefetch = 0 : i64, scratch_operands = 0 : i64, tpu.core_type = #tpu.core_type<tc>} {
    %get3A = arith.constant 0 : index
    %get3A_0 = arith.constant 0 : index
    %get3A_1 = arith.constant 0 : index
    %get3A_2 = vector.load %arg0[%get3A, %get3A_0, %get3A_1] : memref<2x10240x1xf32, #tpu.memory_space<vmem>>, vector<1x10240x1xf32>
    %get3A_3 = vector.shape_cast %get3A_2 : vector<1x10240x1xf32> to vector<10240x1xf32>
    %get3A_4 = arith.constant 1 : index
    %get3A_5 = arith.constant 0 : index
    %get3A_6 = arith.constant 0 : index
    %get3A_7 = vector.load %arg0[%get3A_4, %get3A_5, %get3A_6] : memref<2x10240x1xf32, #tpu.memory_space<vmem>>, vector<1x10240x1xf32>
    %get3A_8 = vector.shape_cast %get3A_7 : vector<1x10240x1xf32> to vector<10240x1xf32>
    %add3A = arith.addf %get3A_3, %get3A_8 : vector<10240x1xf32>
    %add3A_9 = arith.constant 1.000000e+00 : f32
    %add3A_10 = vector.broadcast %add3A_9 : f32 to vector<10240x1xf32>
    %add3A_11 = arith.addf %add3A, %add3A_10 : vector<10240x1xf32>
    %rsqrt3A = math.rsqrt %add3A_11 : vector<10240x1xf32>
    %slice3A = vector.extract_strided_slice %rsqrt3A {offsets = [0, 0], sizes = [10000, 1], strides = [1, 1]} : vector<10240x1xf32> to vector<10000x1xf32>
    %get3A_12 = arith.constant 0 : index
    %get3A_13 = arith.constant 0 : index
    %get3A_14 = arith.constant 0 : index
    %get3A_15 = vector.load %arg1[%get3A_12, %get3A_13, %get3A_14] : memref<2x10240x16xf32, #tpu.memory_space<vmem>>, vector<1x10000x16xf32>
    %get3A_16 = vector.shape_cast %get3A_15 : vector<1x10000x16xf32> to vector<10000x16xf32>
    %get3A_17 = arith.constant 1 : index
    %get3A_18 = arith.constant 0 : index
    %get3A_19 = arith.constant 0 : index
    %get3A_20 = vector.load %arg1[%get3A_17, %get3A_18, %get3A_19] : memref<2x10240x16xf32, #tpu.memory_space<vmem>>, vector<1x10000x16xf32>
    %get3A_21 = vector.shape_cast %get3A_20 : vector<1x10000x16xf32> to vector<10000x16xf32>
    %add3A_22 = arith.addf %get3A_16, %get3A_21 : vector<10000x16xf32>
    %get3A_23 = arith.constant 0 : index
    %get3A_24 = arith.constant 0 : index
    %get3A_25 = vector.load %arg2[%get3A_23, %get3A_24] : memref<10000x16xf32, #tpu.memory_space<vmem>>, vector<10000x16xf32>
    %add3A_26 = arith.addf %add3A_22, %get3A_25 : vector<10000x16xf32>
    %mul3A = vector.broadcast %slice3A : vector<10000x1xf32> to vector<10000x16xf32>
    %mul3A_27 = arith.mulf %add3A_26, %mul3A : vector<10000x16xf32>
    %get3A_28 = arith.constant 0 : index
    %get3A_29 = arith.constant 0 : index
    %get3A_30 = vector.load %arg3[%get3A_28, %get3A_29] : memref<1x16xf32, #tpu.memory_space<vmem>>, vector<1x16xf32>
    %add3A_31 = vector.broadcast %get3A_30 : vector<1x16xf32> to vector<10000x16xf32>
    %add3A_32 = arith.addf %mul3A_27, %add3A_31 : vector<10000x16xf32>
    %max3A = arith.constant 0.000000e+00 : f32
    %max3A_33 = vector.broadcast %max3A : f32 to vector<10000x16xf32>
    %max3A_34 = arith.maximumf %add3A_32, %max3A_33 : vector<10000x16xf32>
    %mul3A_35 = vector.broadcast %slice3A : vector<10000x1xf32> to vector<10000x16xf32>
    %mul3A_36 = arith.mulf %max3A_34, %mul3A_35 : vector<10000x16xf32>
    %swap3A = arith.constant 0 : index
    %swap3A_37 = arith.constant 0 : index
    %swap3A_38 = vector.load %arg4[%swap3A, %swap3A_37] : memref<10000x16xf32, #tpu.memory_space<vmem>>, vector<10000x16xf32>
    tpu.vector_store %arg4[%swap3A, %swap3A_37], %mul3A_36 {strides = array<i32>} : memref<10000x16xf32, #tpu.memory_space<vmem>>, vector<10000x16xf32>,
    return
  }
}

module attributes {stable_mosaic.version = 14 : i64} {
  func.func @_tc_out_body(%arg0: memref<2x10240x1xf32, #tpu.memory_space<vmem>>, %arg1: memref<2x10240x16xf32, #tpu.memory_space<vmem>>, %arg2: memref<10000x16xf32, #tpu.memory_space<vmem>>, %arg3: memref<16x40xf32, #tpu.memory_space<vmem>>, %arg4: memref<1x40xf32, #tpu.memory_space<vmem>>, %arg5: memref<10000x40xf32, #tpu.memory_space<vmem>>) attributes {dimension_semantics = [], scalar_prefetch = 0 : i64, scratch_operands = 0 : i64, tpu.core_type = #tpu.core_type<tc>} {
    %get3A = arith.constant 0 : index
    %get3A_0 = arith.constant 0 : index
    %get3A_1 = arith.constant 0 : index
    %get3A_2 = vector.load %arg0[%get3A, %get3A_0, %get3A_1] : memref<2x10240x1xf32, #tpu.memory_space<vmem>>, vector<1x10240x1xf32>
    %get3A_3 = vector.shape_cast %get3A_2 : vector<1x10240x1xf32> to vector<10240x1xf32>
    %get3A_4 = arith.constant 1 : index
    %get3A_5 = arith.constant 0 : index
    %get3A_6 = arith.constant 0 : index
    %get3A_7 = vector.load %arg0[%get3A_4, %get3A_5, %get3A_6] : memref<2x10240x1xf32, #tpu.memory_space<vmem>>, vector<1x10240x1xf32>
    %get3A_8 = vector.shape_cast %get3A_7 : vector<1x10240x1xf32> to vector<10240x1xf32>
    %add3A = arith.addf %get3A_3, %get3A_8 : vector<10240x1xf32>
    %add3A_9 = arith.constant 1.000000e+00 : f32
    %add3A_10 = vector.broadcast %add3A_9 : f32 to vector<10240x1xf32>
    %add3A_11 = arith.addf %add3A, %add3A_10 : vector<10240x1xf32>
    %rsqrt3A = math.rsqrt %add3A_11 : vector<10240x1xf32>
    %slice3A = vector.extract_strided_slice %rsqrt3A {offsets = [0, 0], sizes = [10000, 1], strides = [1, 1]} : vector<10240x1xf32> to vector<10000x1xf32>
    %get3A_12 = arith.constant 0 : index
    %get3A_13 = arith.constant 0 : index
    %get3A_14 = arith.constant 0 : index
    %get3A_15 = vector.load %arg1[%get3A_12, %get3A_13, %get3A_14] : memref<2x10240x16xf32, #tpu.memory_space<vmem>>, vector<1x10000x16xf32>
    %get3A_16 = vector.shape_cast %get3A_15 : vector<1x10000x16xf32> to vector<10000x16xf32>
    %get3A_17 = arith.constant 1 : index
    %get3A_18 = arith.constant 0 : index
    %get3A_19 = arith.constant 0 : index
    %get3A_20 = vector.load %arg1[%get3A_17, %get3A_18, %get3A_19] : memref<2x10240x16xf32, #tpu.memory_space<vmem>>, vector<1x10000x16xf32>
    %get3A_21 = vector.shape_cast %get3A_20 : vector<1x10000x16xf32> to vector<10000x16xf32>
    %add3A_22 = arith.addf %get3A_16, %get3A_21 : vector<10000x16xf32>
    %get3A_23 = arith.constant 0 : index
    %get3A_24 = arith.constant 0 : index
    %get3A_25 = vector.load %arg2[%get3A_23, %get3A_24] : memref<10000x16xf32, #tpu.memory_space<vmem>>, vector<10000x16xf32>
    %add3A_26 = arith.addf %add3A_22, %get3A_25 : vector<10000x16xf32>
    %mul3A = vector.broadcast %slice3A : vector<10000x1xf32> to vector<10000x16xf32>
    %mul3A_27 = arith.mulf %add3A_26, %mul3A : vector<10000x16xf32>
    %get3A_28 = arith.constant 0 : index
    %get3A_29 = arith.constant 0 : index
    %get3A_30 = vector.load %arg3[%get3A_28, %get3A_29] : memref<16x40xf32, #tpu.memory_space<vmem>>, vector<16x40xf32>
    %dot_general3A = arith.constant dense<0.000000e+00> : vector<10000x40xf32>
    %dot_general3A_31 = tpu.matmul %mul3A_27, %get3A_30, %dot_general3A {dimension_numbers = #tpu.dot_dimension_numbers<[1], [0], [0], [1], [0, 0, 1, 1], [], []>, transpose_lhs_hint = false} : vector<10000x16xf32>, vector<16x40xf32>, vector<10000x40xf32> -> vector<10000x40xf32>
    %get3A_32 = arith.constant 0 : index
    %get3A_33 = arith.constant 0 : index
    %get3A_34 = vector.load %arg4[%get3A_32, %get3A_33] : memref<1x40xf32, #tpu.memory_space<vmem>>, vector<1x40xf32>
    %add3A_35 = vector.broadcast %get3A_34 : vector<1x40xf32> to vector<10000x40xf32>
    %add3A_36 = arith.addf %dot_general3A_31, %add3A_35 : vector<10000x40xf32>
    %swap3A = arith.constant 0 : index
    %swap3A_37 = arith.constant 0 : index
    %swap3A_38 = vector.load %arg5[%swap3A, %swap3A_37] : memref<10000x40xf32, #tpu.memory_space<vmem>>, vector<10000x40xf32>
    tpu.vector_store %arg5[%swap3A, %swap3A_37], %add3A_36 {strides = array<i32>} : memref<10000x40xf32, #tpu.memory_space<vmem>>, vector<10000x40xf32>,
    return
  }
}

</mosaic_0001>

<sc_bundles>
// kernel: kernel.12.cloned.1.call-start
scs
__scs_entry_jumppad:
0x0: {  	(pc) =	sbr.rel $0x88, $3  }
0x1: {  	(tag) =	ssettag $0x0;
	lr =	simm.s32 $0x1  }
0x2: {  	[smem:$0x3F9B] =	sst lr;
	_ =	strace $0xD0000000  }
0x3: {  	_ = 	snop  }
0x4: {  	_ = 	snop  }
0x5: {  	_ = 	snop  }
0x6: {  	_ = 	snop  }
0x7: {  	_ = 	snop  }
__scs_overlays_trampoline_lowered:
0x8: {  	[smem:$0x3FAA] =	sst s0  }
0x9: {  	[smem:$0x3FAB] =	sst s1  }
0xa: {  	[smem:$0x3FAC] =	sst s2  }
0xb: {  	[smem:$0x3FAD] =	sst s3  }
0xc: {  	[smem:$0x3FAE] =	sst s4  }
0xd: {  	[smem:$0x3FAF] =	sst s5  }
0xe: {  	[smem:$0x3FB0] =	sst s6  }
0xf: {  	[smem:$0x3FB1] =	sst s7  }
0x10: {  	[smem:$0x3FB2] =	sst s8  }
0x11: {  	[smem:$0x3FB3] =	sst s9;
	s0 =	simm.s32 @!p0 $0x0  }
0x12: {  	s1 =	sld [smem:$0x3F99];
	s0 =	simm.s32 @p0 $0x1  }
0x13: {  	[smem:$0x3FB4] =	sst s0;
	s0 =	simm.s32 @!p1 $0x0  }
0x14: {  	s2 =	sld [smem:$0x3F98];
	s0 =	simm.s32 @p1 $0x1  }
0x15: {  	[smem:$0x3FB5] =	sst s0;
	s0 =	simm.s32 @!p2 $0x0  }
0x16: {  	s3 =	sld [smem:$0x3FDB];
	s0 =	simm.s32 @p2 $0x1  }
0x17: {  	s4 =	simm.s32 $0x1BF5;
	[smem:$0x3FB7] =	sst s0  }
0x18: {  	s0 =	sld [smem:$0x3F9A];
	_ =	swait.ge [sflag:s4], $0x0  }
0x19: {  	s7 =	sld [smem:$0x3F9B]  }
0x1a: {  	s8 =	sadd.s32 $0xFFFFE003, lr  }
0x1b: {  	s9 =	sadd.s32 $0xFFFFFEF7, lr;
	s5 =	simm.s32 $0xFFFFFFFF;
	p2 =	slt.u32 s8, $0xFFFFF086  }
0x1c: {  	p1 =	slt.u32 s9, $0xF7A;
	s5 =	simm.s32 @!p2 $0x0  }
0x1d: {  	s5 =	simm.s32 @p1 $0x1;
	p0 =	seq.s32 s7, s2  }
0x1e: {  	s7 =	smul.u32 @!p0 $0xF7A, s2;
	p2 =	seq.s32 @!p0 s5, $0x0  }
0x1f: {  	s9 =	smul.u32 $0xF7A, s1;
	s8 =	simm.s32 @!p0 $0x1BF5;
	p2 =	por !p2, p0  }
0x20: {  	[sflag:s8] =	ssyncset.s32 @!p0 $0xFFFFF086;
	s6 =	sadd.s32 @!p0 s3, s7;
	s7 =	simm.s32 @!p0 $0x108  }
0x21: {  	s3 =	sadd.s32 s3, s9;
	s6 =	sadd.s32 @!p0 $0x88, s6;
	s7 =	simm.s32 @p2 $0x1082  }
0x22: {  	[simem:s7], [sflag:s8] =	dma.local @!p0 [hbm:s6], $0xF7A  }
0x23: {  	s9 =	sor.u32 $0xD0000000, s2;
	s6 =	simm.s32 $0x108;
	_ =	swait.ge @!p0 [sflag:s8], $0x0  }
0x24: {  	s3 =	sadd.s32 $0x88, s3;
	s6 =	simm.s32 @!p1 $0x1082;
	[sflag:s4] =	ssyncset.s32 $0xFFFFF086  }
0x25: {  	[simem:s6], [sflag:s4] =	dma.local [hbm:s3], $0xF7A  }
0x26: {  	[smem:$0x3F9B] =	sst s1;
	(tag) =	ssettag s2;
	_ =	strace s9  }
0x27: {  	s1 =	sld [smem:$0x3FAB]  }
0x28: {  	s2 =	sld [smem:$0x3FAC]  }
0x29: {  	s4 =	sld [smem:$0x3FAE]  }
0x2a: {  	p0 =	seq.s32 s5, $0x0;
	s5 =	sld [smem:$0x3FAF]  }
0x2b: {  	s6 =	sld [smem:$0x3FB0]  }
0x2c: {  	s7 =	sld [smem:$0x3FB1]  }
0x2d: {  	s3 =	simm.s32 $0x108;
	s8 =	sld [smem:$0x3FB2]  }
0x2e: {  	s3 =	simm.s32 @!p0 $0x1082;
	s9 =	sld [smem:$0x3FB3]  }
0x2f: {  	lr =	sadd.s32 s0, s3;
	s0 =	sld [smem:$0x3FAA]  }
0x30: {  	s3 =	sld [smem:$0x3FAD]  }
0x31: {  	[smem:$0x3FB6] =	sst s10  }
0x32: {  	s10 =	sld [smem:$0x3FB4];
	_ =	sdelay $0x3  }
0x33: {  	p0 =	seq.s32 s10, $0x1;
	s10 =	sld [smem:$0x3FB6];
	_ =	sdelay $0x3  }
0x34: {  	[smem:$0x3FB6] =	sst s10  }
0x35: {  	s10 =	sld [smem:$0x3FB5];
	_ =	sdelay $0x3  }
0x36: {  	p1 =	seq.s32 s10, $0x1;
	s10 =	sld [smem:$0x3FB6];
	_ =	sdelay $0x3  }
0x37: {  	[smem:$0x3FB6] =	sst s10  }
0x38: {  	s10 =	sld [smem:$0x3FB7]  }
0x39: {  	_ = 	snop;
	(pc) =	sbr.ind lr, $3  }
0x3a: {  	_ = 	snop  }
0x3b: {  	_ = 	snop  }
0x3c: {  	p2 =	seq.s32 s10, $0x1;
	s10 =	sld [smem:$0x3FB6]  }
0x3d: {  	_ =	shalt  }
0x3e: {  	_ =	shalt  }
0x3f: {  	_ =	shalt  }
0x40: {  	_ =	shalt  }
0x41: {  	_ =	shalt  }
0x42: {  	_ =	shalt  }
0x43: {  	_ =	shalt  }
0x44: {  	_ =	shalt  }
0x45: {  	_ =	shalt  }
0x46: {  	_ =	shalt  }
0x47: {  	_ =	shalt  }
0x48: {  	_ =	shalt  }
0x49: {  	_ =	shalt  }
0x4a: {  	_ =	shalt  }
0x4b: {  	_ =	shalt  }
0x4c: {  	_ =	shalt  }
0x4d: {  	_ =	shalt  }
0x4e: {  	_ =	shalt  }
0x4f: {  	_ =	shalt  }
0x50: {  	_ =	shalt  }
0x51: {  	_ =	shalt  }
0x52: {  	_ =	shalt  }
0x53: {  	_ =	shalt  }
0x54: {  	_ =	shalt  }
0x55: {  	_ =	shalt  }
0x56: {  	_ =	shalt  }
0x57: {  	_ =	shalt  }
0x58: {  	_ =	shalt  }
0x59: {  	_ =	shalt  }
0x5a: {  	_ =	shalt  }
0x5b: {  	_ =	shalt  }
0x5c: {  	_ =	shalt  }
0x5d: {  	_ =	shalt  }
0x5e: {  	_ =	shalt  }
0x5f: {  	_ =	shalt  }
0x60: {  	_ =	shalt  }
0x61: {  	_ =	shalt  }
0x62: {  	_ =	shalt  }
0x63: {  	_ =	shalt  }
0x64: {  	_ =	shalt  }
0x65: {  	_ =	shalt  }
0x66: {  	_ =	shalt  }
0x67: {  	_ =	shalt  }
0x68: {  	_ =	shalt  }
0x69: {  	_ =	shalt  }
0x6a: {  	_ =	shalt  }
0x6b: {  	_ =	shalt  }
0x6c: {  	_ =	shalt  }
0x6d: {  	_ =	shalt  }
0x6e: {  	_ =	shalt  }
0x6f: {  	_ =	shalt  }
0x70: {  	_ =	shalt  }
0x71: {  	_ =	shalt  }
0x72: {  	_ =	shalt  }
0x73: {  	_ =	shalt  }
0x74: {  	_ =	shalt  }
0x75: {  	_ =	shalt  }
0x76: {  	_ =	shalt  }
0x77: {  	_ =	shalt  }
0x78: {  	_ =	shalt  }
0x79: {  	_ =	shalt  }
0x7a: {  	_ =	shalt  }
0x7b: {  	_ =	shalt  }
0x7c: {  	_ =	shalt  }
0x7d: {  	_ =	shalt  }
0x7e: {  	_ =	shalt  }
0x7f: {  	_ =	shalt  }
0x80: {  	_ =	shalt  }
0x81: {  	_ =	shalt  }
0x82: {  	_ =	shalt  }
0x83: {  	_ =	shalt  }
0x84: {  	_ =	shalt  }
0x85: {  	_ =	shalt  }
0x86: {  	_ =	shalt  }
0x87: {  	_ =	shalt  }
.Lfunc_end0:
.L_simem_size_0:
called_computation.1_lowered:
.L_overlay_start_0:
0x88: {  	s2 =	sld [smem:$0x3FD9]  }
0x89: {  	s3 =	sld [smem:$0x3FFE];
	_ =	sdelay $0x1  }
0x8a: {  	s1 =	srdreg.scid  }
0x8b: {  	s0 =	sand.u32 $0x1, s1  }
0x8c: {  	s17 =	sshll.u32 s0, $0xA;
	s2 =	sadd.s32 s3, s2  }
0x8d: {  	s2 =	sadd.s32 s2, s17  }
0x8e: {  	[smem:$0x3FC2] =	sst s2  }
0x8f: {  	_ = 	snop  }
0x90: {  	s2 =	sld [smem:$0x3FD0];
	(tm) =	ssettm $0x1  }
0x91: {  	s18 =	sld [smem:$0x3FFB];
	_ =	sdelay $0x3  }
0x92: {  	_ =	strace s18  }
0x93: {  	s3 =	sld [smem:$0x3FFC];
	_ =	sdelay $0x3  }
0x94: {  	_ =	strace s3  }
0x95: {  	s3 =	sld [smem:$0x3FFD];
	_ =	sdelay $0x3  }
0x96: {  	_ =	strace s3  }
0x97: {  	_ =	strace $0x8FFFFFFF  }
0x98: {  	s19 =	sld [smem:$0x3FDB];
	_ =	sdelay $0x1  }
0x99: {  	s4 =	simm.s32 $_scs_section_size  }
0x9a: {  	s5 =	simm.s32 $_size__tile_overlayer_lowered;
	s6 =	simm.s32 $_tile_overlayer_lowered  }
0x9b: {  	s22 =	simm.s32 $0x1BFF;
	s21 =	sshll.u32 s6, $0x1;
	s3 =	sadd.s32 s4, s19  }
0x9c: {  	s7 =	simm.s32 $0x0;
	s20 =	sshll.u32 s5, $0x1;
	s5 =	sadd.s32 s21, s3  }
0x9d: {  	[timem:s7], [sflag:s22] =	dma.local [hbm:s5], s20  }
0x9e: {  	_ =	swait.ge [sflag:s22], s20  }
0x9f: {  	s4 =	ssub.s32 $0x0, s20;
	[sflag:s22] =	ssyncset.done $0x0  }
0xa0: {  	[sflag:s22] =	ssyncadd.s32 s4;
	_ =	sdelay $0x1  }
0xa1: {  	s23 =	simm.s32 $0x1B8B  }
0xa2: {  	_ =	swait.ge [sflag:s23], $0x1  }
0xa3: {  	[sflag:s23] =	ssyncset.done $0x0  }
0xa4: {  	s25 =	simm.s32 $0x1B8E;
	s24 =	sld [smem:$0x3FFE];
	[sflag:s23] =	ssyncadd.s32 $0xFFFFFFFF  }
0xa5: {  	s26 =	simm.s32 $execute0_lowered;
	[smem:$0x3FD2] =	sst s25  }
0xa6: {  	s5 =	sshll.u32 s26, $0x1;
	_ =	strace $0x80000049;
	[dreg:$0x1] =	wrdreg $0xFFFFFFFF  }
0xa7: {  	s28 =	simm.s32 $_size_execute0_lowered;
	s3 =	sadd.s32 s3, s5;
	[dreg:$0x0] =	wrdreg $0x0  }
0xa8: {  	s5 =	sshll.u32 s28, $0x1;
	[dreg:$0x2] =	wrdreg s3  }
0xa9: {  	[dreg:$0x3] =	wrdreg s5  }
0xaa: {  	[dreg:$0x4] =	wrdreg $0xC0  }
0xab: {  	_ =	task [dreg:s7], $0x5FFFF  }
0xac: {  	[dreg:$0x1] =	wrdreg $0xFFFFFFFF  }
0xad: {  	[dreg:$0x0] =	wrdreg $0x60  }
0xae: {  	[dreg:$0x2] =	wrdreg s24  }
0xaf: {  	[dreg:$0x3] =	wrdreg s2  }
0xb0: {  	[dreg:$0x4] =	wrdreg $0x70000  }
0xb1: {  	[dreg:$0x5] =	wrdreg $0x9  }
0xb2: {  	_ =	task.clear_ibuf [dreg:s7], $0x6FFFF;
	_ =	strace $0x90000049  }
0xb3: {  	s29 =	simm.s32 $0x9;
	_ =	strace $0x8000004B  }
0xb4: {  	_ =	swait.ge [sflag:s29], $0x1  }
0xb5: {  	[sflag:s29] =	ssyncadd.s32 $0xFFFFFFFF  }
0xb6: {  	_ =	strace $0x9000004B  }
0xb7: {  	_ =	sfence  }
0xb8: {  	s30 =	sld [smem:$0x0];
	_ =	sdelay $0x2  }
0xb9: {  	s31 =	sshll.u32 s1, $0xD;
	s1 =	sshrl.u32 s1, $0x2  }
0xba: {  	s3 =	sand.u32 $0x4000, s31;
	s1 =	sadd.s32 s1, s30  }
0xbb: {  	s0 =	sor.u32 s3, s0;
	s1 =	sshll.u32 s1, $0x11  }
0xbc: {  	s0 =	sor.u32 s1, s0  }
0xbd: {  	s0 =	sadd.s32 $0x8F2B, s0  }
0xbe: {  	[sflag:s0] =	ssyncadd.remote.s32 $0x1  }
0xbf: {  	_ =	sfence.sel $0xFFFF  }
0xc0: {  	[dreg:$0x0] =	wrdreg $0xFFFFFFFF;
	(pc) =	sbr.abs _section_cstart, $3  }
0xc1: {  	[dreg:$0x1] =	wrdreg $0xFFFFFFFF  }
0xc2: {  	_ =	task.clear_ibuf [dreg:s7], $0x2FFFF;
	_ =	strace $0x9FFFFFFF  }
0xc3: {  	(tm) =	ssettm $0x7FFFFFFF  }
tec
execute0_lowered:
.L_overlay_start_1:
0x0: {  	(tag) =	ssettag $0x1  }
0x1: {  	s0 =	rddreg [dreg:$0x0];
	s1 =	srdreg.scid  }
0x2: {  	s10 =	stileid.u32;
	s8 =	rddreg [dreg:$0x1]  }
0x3: {  	s2 =	rddreg [dreg:$0x2];
	s13 =	simm.s32 $0x80;
	s14 =	simm.s32 $0x5000  }
0x4: {  	s15 =	simm.s32 $0x5800;
	s16 =	simm.s32 $0x1;
	s18 =	simm.s32 $0x6000  }
0x5: {  	s19 =	simm.s32 $0x2;
	s21 =	simm.s32 $0x180;
	s22 =	simm.s32 $0x6800  }
0x6: {  	s23 =	simm.s32 $0x3;
	s28 =	simm.s32 $0x4;
	s29 =	simm.s32 $0x2980  }
0x7: {  	s30 =	simm.s32 $0x280;
	s31 =	simm.s32 $0x0;
	s1 =	sand.u32 $0x1, s1  }
0x8: {  	s3 =	sshll.u32 s10, $0x1;
	s7 =	smul.u32 $0x2800, s10;
	s26 =	sshll.u32 s10, $0x6  }
0x9: {  	s10 =	simm.s32 $0x2800;
	s4 =	sor.u32 s1, s3;
	s3 =	simm.s32 $0x0  }
0xa: {  	s24 =	ssub.s32 $0x2, s1;
	s1 =	smul.u32 $0x5000, s1;
	s11 =	sor.u32 $0x1C05, s26  }
0xb: {  	s26 =	simm.s32 $0x200;
	s5 =	smul.u32 $0x500, s4;
	[smem:$0x7FF] =	sst s3  }
0xc: {  	s4 =	sadd.s32 $0x16800, s0;
	s17 =	sshrl.u32 s7, $0x3;
	s9 =	sshrl.u32 s24, $0x1  }
.Ltmp0:
0xd: {  	s12 =	sadd.s32 s7, s2;
	_ =	strace $0x8000004A;
	(pc) =	sbr.rel .LBB2_1-.Ltmp0, $4  }
0xe: {  	s9 =	ssub.s32 s24, s9;
	s25 =	sadd.s32 s8, s1;
	s12 =	sshrl.u32 s12, $0x3  }
0xf: {  	s6 =	sadd.s32 s5, s0;
	s0 =	sadd.s32 s17, s0;
	s8 =	smax.u32 s9, $0x1  }
0x10: {  	s9 =	simm.s32 $0x5;
	s24 =	sadd.s32 s17, s25;
	s25 =	simm.s32 $0x2900  }
0x11: {  	s5 =	sadd.s32 $0x2800, s6;
	s6 =	sadd.s32 $0xC800, s6;
	s7 =	sadd.s32 $0x1B800, s0  }
.LBB2_4:
0x12: {  	_ =	swait.ge [sflag:s28], $0x800  }
0x13: {  	[sflag:s28] =	ssyncset.done $0x0  }
0x14: {  	[sflag:s28] =	ssyncadd.s32 $0xFFFFF800  }
0x15: {  	[spmem:s2] =	stream.indirect.scatter.add.f32 [tilespmem:s22], [sflag:$0x4], $0x10, s17, s13, $0xb8;
	[tilespmem:$0x9800] =	vst v63  }
0x16: {  	_ =	swait.ge [sflag:s19], $0x800  }
0x17: {  	[sflag:s19] =	ssyncset.done $0x0  }
0x18: {  	[sflag:s19] =	ssyncadd.s32 $0xFFFFF800  }
0x19: {  	_ =	swait.ge [sflag:s23], $0x800  }
0x1a: {  	[sflag:s23] =	ssyncset.done $0x0  }
0x1b: {  	[sflag:s23] =	ssyncadd.s32 $0xFFFFF800  }
0x1c: {  	_ =	swait.ge [sflag:s28], $0x800  }
0x1d: {  	s31 =	sadd.s32 $0x1, s31;
	[sflag:s28] =	ssyncset.done $0x0  }
0x1e: {  	p0 =	sne.s32 s31, s8;
	[sflag:s28] =	ssyncadd.s32 $0xFFFFF800  }
.Ltmp1:
0x1f: {  	[bflag:$0x0] =	sbarrier.arrive $0xFFFF;
	(pc) =	sbr.rel @!p0 .LBB2_5-.Ltmp1, $4  }
0x20: {  	[hbm:s24], [sflag:s11] =	dma.local [spmem:s12], $0x500  }
0x21: {  	_ =	swait.ge [sflag:s9], $0x500  }
0x22: {  	[sflag:s9] =	ssyncset.done $0x0  }
0x23: {  	[sflag:s9] =	ssyncadd.s32 $0xFFFFFB00  }
.LBB2_1:
0x24: {  	[tilespmem:s3], [sflag:$0x5] =	stream.linear.gather [hbm4b:s5+s3], $0x2800, $0x38;
	[tilespmem:$0x9800] =	vst v63  }
0x25: {  	_ =	swait.ge [sflag:s9], $0x2800  }
0x26: {  	[sflag:s9] =	ssyncset.done $0x0  }
0x27: {  	[sflag:s9] =	ssyncadd.s32 $0xFFFFD800  }
0x28: {  	[tilespmem:s10], [sflag:$0x5] =	stream.linear.gather [hbm4b:s6+s3], $0x2800, $0x38;
	[tilespmem:$0x9800] =	vst v63  }
0x29: {  	_ =	swait.ge [sflag:s9], $0x2800  }
0x2a: {  	[sflag:s9] =	ssyncset.done $0x0  }
0x2b: {  	[sflag:s9] =	ssyncadd.s32 $0xFFFFD800  }
0x2c: {  	[spmem:s12], [sflag:s11] =	dma.local [hbm:s7], $0x500  }
0x2d: {  	_ =	swait.ge [sflag:s9], $0x500  }
0x2e: {  	[sflag:s9] =	ssyncset.done $0x0  }
0x2f: {  	[sflag:s9] =	ssyncadd.s32 $0xFFFFFB00  }
0x30: {  	[bflag:$0x0] =	sbarrier.arrive $0xFFFF  }
0x31: {  	[tilespmem:s14], [sflag:$0x1] =	stream.indirect.gather [hbm4b:s4+s13], $0x10, s3, s13, $0xb8;
	[tilespmem:$0x9800] =	vst v63  }
0x32: {  	_ = 	snop  }
0x33: {  	[tilespmem:s15], [sflag:$0x2] =	stream.indirect.gather [hbm4b:s4+s13], $0x10, s13, s13, $0xb8;
	[tilespmem:$0x9800] =	vst v63  }
0x34: {  	_ =	swait.ge [sflag:s16], $0x800  }
0x35: {  	[sflag:s16] =	ssyncset.done $0x0  }
0x36: {  	[sflag:s16] =	ssyncadd.s32 $0xFFFFF800  }
0x37: {  	[spmem:s2] =	stream.indirect.scatter.add.f32 [tilespmem:s14], [sflag:$0x1], $0x10, s10, s13, $0xb8;
	[tilespmem:$0x9800] =	vst v63  }
0x38: {  	s0 =	simm.s32 $0x100  }
0x39: {  	[tilespmem:s18], [sflag:$0x3] =	stream.indirect.gather [hbm4b:s4+s13], $0x10, s0, s13, $0xb8;
	[tilespmem:$0x9800] =	vst v63  }
0x3a: {  	_ =	swait.ge [sflag:s19], $0x800  }
0x3b: {  	[sflag:s19] =	ssyncset.done $0x0  }
0x3c: {  	s20 =	simm.s32 $0x2880;
	[sflag:s19] =	ssyncadd.s32 $0xFFFFF800  }
0x3d: {  	[spmem:s2] =	stream.indirect.scatter.add.f32 [tilespmem:s15], [sflag:$0x2], $0x10, s20, s13, $0xb8;
	[tilespmem:$0x9800] =	vst v63  }
0x3e: {  	_ = 	snop  }
0x3f: {  	[tilespmem:s22], [sflag:$0x4] =	stream.indirect.gather [hbm4b:s4+s13], $0x10, s21, s13, $0xb8;
	[tilespmem:$0x9800] =	vst v63  }
0x40: {  	_ =	swait.ge [sflag:s23], $0x800  }
0x41: {  	[sflag:s23] =	ssyncset.done $0x0  }
0x42: {  	[sflag:s23] =	ssyncadd.s32 $0xFFFFF800  }
0x43: {  	[spmem:s2] =	stream.indirect.scatter.add.f32 [tilespmem:s18], [sflag:$0x3], $0x10, s25, s13, $0xb8;
	[tilespmem:$0x9800] =	vst v63  }
0x44: {  	_ =	swait.ge [sflag:s16], $0x800  }
0x45: {  	[sflag:s16] =	ssyncset.done $0x0  }
0x46: {  	[sflag:s16] =	ssyncadd.s32 $0xFFFFF800  }
0x47: {  	[tilespmem:s14], [sflag:$0x1] =	stream.indirect.gather [hbm4b:s4+s13], $0x10, s26, s13, $0xb8;
	[tilespmem:$0x9800] =	vst v63  }
0x48: {  	_ =	swait.ge [sflag:s28], $0x800  }
0x49: {  	[sflag:s28] =	ssyncset.done $0x0  }
0x4a: {  	[sflag:s28] =	ssyncadd.s32 $0xFFFFF800  }
0x4b: {  	[spmem:s2] =	stream.indirect.scatter.add.f32 [tilespmem:s22], [sflag:$0x4], $0x10, s29, s13, $0xb8;
	[tilespmem:$0x9800] =	vst v63  }
0x4c: {  	_ =	swait.ge [sflag:s19], $0x800  }
0x4d: {  	[sflag:s19] =	ssyncset.done $0x0  }
0x4e: {  	s1 =	simm.s32 $0x0;
	[sflag:s19] =	ssyncadd.s32 $0xFFFFF800  }
0x4f: {  	[tilespmem:s15], [sflag:$0x2] =	stream.indirect.gather [hbm4b:s4+s13], $0x10, s30, s13, $0xb8;
	[tilespmem:$0x9800] =	vst v63  }
.LBB2_2:
0x50: {  	_ =	swait.ge [sflag:s16], $0x800  }
0x51: {  	s0 =	sshra.s32 s1, $0x2;
	[sflag:s16] =	ssyncset.done $0x0  }
0x52: {  	s17 =	sadd.s32 $0x2A00, s0;
	[sflag:s16] =	ssyncadd.s32 $0xFFFFF800  }
0x53: {  	[spmem:s2] =	stream.indirect.scatter.add.f32 [tilespmem:s14], [sflag:$0x1], $0x10, s17, s13, $0xb8;
	[tilespmem:$0x9800] =	vst v63  }
0x54: {  	_ =	swait.ge [sflag:s23], $0x800  }
0x55: {  	[sflag:s23] =	ssyncset.done $0x0  }
0x56: {  	s20 =	sadd.s32 $0x300, s0;
	[sflag:s23] =	ssyncadd.s32 $0xFFFFF800  }
0x57: {  	[tilespmem:s18], [sflag:$0x3] =	stream.indirect.gather [hbm4b:s4+s13], $0x10, s20, s13, $0xb8;
	[tilespmem:$0x9800] =	vst v63  }
0x58: {  	_ =	swait.ge [sflag:s19], $0x800  }
0x59: {  	[sflag:s19] =	ssyncset.done $0x0  }
0x5a: {  	s20 =	sadd.s32 $0x2A80, s0;
	[sflag:s19] =	ssyncadd.s32 $0xFFFFF800  }
0x5b: {  	[spmem:s2] =	stream.indirect.scatter.add.f32 [tilespmem:s15], [sflag:$0x2], $0x10, s20, s13, $0xb8;
	[tilespmem:$0x9800] =	vst v63  }
0x5c: {  	_ =	swait.ge [sflag:s28], $0x800  }
0x5d: {  	[sflag:s28] =	ssyncset.done $0x0  }
0x5e: {  	s20 =	sadd.s32 $0x380, s0;
	[sflag:s28] =	ssyncadd.s32 $0xFFFFF800  }
0x5f: {  	[tilespmem:s22], [sflag:$0x4] =	stream.indirect.gather [hbm4b:s4+s13], $0x10, s20, s13, $0xb8;
	[tilespmem:$0x9800] =	vst v63  }
0x60: {  	_ =	swait.ge [sflag:s23], $0x800  }
0x61: {  	p0 =	seq.s32 s1, $0x9000;
	[sflag:s23] =	ssyncset.done $0x0  }
.Ltmp2:
0x62: {  	s20 =	sadd.s32 $0x2B00, s0;
	[sflag:s23] =	ssyncadd.s32 $0xFFFFF800;
	(pc) =	sbr.rel @p0 .LBB2_4-.Ltmp2, $4  }
0x63: {  	[spmem:s2] =	stream.indirect.scatter.add.f32 [tilespmem:s18], [sflag:$0x3], $0x10, s20, s13, $0xb8;
	[tilespmem:$0x9800] =	vst v63  }
0x64: {  	_ =	swait.ge [sflag:s16], $0x800  }
0x65: {  	[sflag:s16] =	ssyncset.done $0x0  }
0x66: {  	s17 =	sadd.s32 $0x2B80, s0;
	[sflag:s16] =	ssyncadd.s32 $0xFFFFF800  }
0x67: {  	s20 =	sadd.s32 $0x400, s0  }
0x68: {  	[tilespmem:s14], [sflag:$0x1] =	stream.indirect.gather [hbm4b:s4+s13], $0x10, s20, s13, $0xb8;
	[tilespmem:$0x9800] =	vst v63  }
0x69: {  	_ =	swait.ge [sflag:s28], $0x800  }
0x6a: {  	[sflag:s28] =	ssyncset.done $0x0  }
0x6b: {  	[sflag:s28] =	ssyncadd.s32 $0xFFFFF800  }
0x6c: {  	[spmem:s2] =	stream.indirect.scatter.add.f32 [tilespmem:s22], [sflag:$0x4], $0x10, s17, s13, $0xb8;
	[tilespmem:$0x9800] =	vst v63  }
.Ltmp3:
0x6d: {  	_ = 	snop;
	(pc) =	sbr.rel .LBB2_2-.Ltmp3, $4  }
0x6e: {  	_ =	swait.ge [sflag:s19], $0x800  }
0x6f: {  	[sflag:s19] =	ssyncset.done $0x0  }
0x70: {  	s1 =	sadd.s32 $0x800, s1;
	s20 =	sadd.s32 $0x480, s0;
	[sflag:s19] =	ssyncadd.s32 $0xFFFFF800  }
0x71: {  	[tilespmem:s15], [sflag:$0x2] =	stream.indirect.gather [hbm4b:s4+s13], $0x10, s20, s13, $0xb8;
	[tilespmem:$0x9800] =	vst v63  }
.LBB2_5:
0x72: {  	_ =	sfence.sel $0x180000  }
0x73: {  	[bflag:$0x0] =	sbarrier.arrive $0xFFFF  }
0x74: {  	_ =	strace $0x9000004A  }
0x75: {  	s0 =	stileid.u32;
	[bflag:$0x2] =	sbarrier.arrive $0xFFFF  }
0x76: {  	p0 =	sne.s32 s0, $0x0;
	s0 =	rddreg [dreg:$0x3]  }
0x77: {  	s0 =	sadd.s32 @!p0 $0x100000, s0  }
0x78: {  	[sflag:s0] =	ssyncadd.tile.s32 @!p0 $0x1;
	_ =	shalt  }
.Lfunc_end2:
_tile_overlayer_lowered:
.L_overlay_start_2:
0x79: {  	(tag) =	ssettag $0x2  }
0x7a: {  	s0 =	rddreg [dreg:$0x0];
	s2 =	stileid.u32  }
0x7b: {  	s1 =	rddreg [dreg:$0x1];
	p0 =	sne.s32 s2, $0x0  }
0x7c: {  	s3 =	rddreg [dreg:$0x2];
	[bflag:$0x3] =	sbarrier.arrive $0xFFFF;
	s2 =	simm.s32 @!p0 $0x1C05  }
0x7d: {  	[timem:s3], [sflag:s2] =	dma.local @!p0 [hbm:s0], s1  }
0x7e: {  	s0 =	simm.s32 @!p0 $0x5  }
0x7f: {  	_ =	swait.ge @!p0 [sflag:s0], s1  }
0x80: {  	s1 =	ssub.s32 @!p0 $0x0, s1;
	[sflag:s0] =	ssyncset.done @!p0 $0x0  }
0x81: {  	[sflag:s0] =	ssyncadd.s32 @!p0 s1  }
0x82: {  	[bflag:$0x3] =	sbarrier.arrive $0xFFFF  }
0x83: {  	_ =	shalt  }

// kernel: kernel.15.cloned.1.call-start
scs
__scs_entry_jumppad:
0x0: {  	(pc) =	sbr.rel $0x88, $3  }
0x1: {  	(tag) =	ssettag $0x0;
	lr =	simm.s32 $0x1  }
0x2: {  	[smem:$0x3F9B] =	sst lr;
	_ =	strace $0xD0000000  }
0x3: {  	_ = 	snop  }
0x4: {  	_ = 	snop  }
0x5: {  	_ = 	snop  }
0x6: {  	_ = 	snop  }
0x7: {  	_ = 	snop  }
__scs_overlays_trampoline_lowered:
0x8: {  	[smem:$0x3FAA] =	sst s0  }
0x9: {  	[smem:$0x3FAB] =	sst s1  }
0xa: {  	[smem:$0x3FAC] =	sst s2  }
0xb: {  	[smem:$0x3FAD] =	sst s3  }
0xc: {  	[smem:$0x3FAE] =	sst s4  }
0xd: {  	[smem:$0x3FAF] =	sst s5  }
0xe: {  	[smem:$0x3FB0] =	sst s6  }
0xf: {  	[smem:$0x3FB1] =	sst s7  }
0x10: {  	[smem:$0x3FB2] =	sst s8  }
0x11: {  	[smem:$0x3FB3] =	sst s9;
	s0 =	simm.s32 @!p0 $0x0  }
0x12: {  	s1 =	sld [smem:$0x3F99];
	s0 =	simm.s32 @p0 $0x1  }
0x13: {  	[smem:$0x3FB4] =	sst s0;
	s0 =	simm.s32 @!p1 $0x0  }
0x14: {  	s2 =	sld [smem:$0x3F98];
	s0 =	simm.s32 @p1 $0x1  }
0x15: {  	[smem:$0x3FB5] =	sst s0;
	s0 =	simm.s32 @!p2 $0x0  }
0x16: {  	s3 =	sld [smem:$0x3FDB];
	s0 =	simm.s32 @p2 $0x1  }
0x17: {  	s4 =	simm.s32 $0x1BF5;
	[smem:$0x3FB7] =	sst s0  }
0x18: {  	s0 =	sld [smem:$0x3F9A];
	_ =	swait.ge [sflag:s4], $0x0  }
0x19: {  	s7 =	sld [smem:$0x3F9B]  }
0x1a: {  	s8 =	sadd.s32 $0xFFFFE003, lr  }
0x1b: {  	s9 =	sadd.s32 $0xFFFFFEF7, lr;
	s5 =	simm.s32 $0xFFFFFFFF;
	p2 =	slt.u32 s8, $0xFFFFF086  }
0x1c: {  	p1 =	slt.u32 s9, $0xF7A;
	s5 =	simm.s32 @!p2 $0x0  }
0x1d: {  	s5 =	simm.s32 @p1 $0x1;
	p0 =	seq.s32 s7, s2  }
0x1e: {  	s7 =	smul.u32 @!p0 $0xF7A, s2;
	p2 =	seq.s32 @!p0 s5, $0x0  }
0x1f: {  	s9 =	smul.u32 $0xF7A, s1;
	s8 =	simm.s32 @!p0 $0x1BF5;
	p2 =	por !p2, p0  }
0x20: {  	[sflag:s8] =	ssyncset.s32 @!p0 $0xFFFFF086;
	s6 =	sadd.s32 @!p0 s3, s7;
	s7 =	simm.s32 @!p0 $0x108  }
0x21: {  	s3 =	sadd.s32 s3, s9;
	s6 =	sadd.s32 @!p0 $0x88, s6;
	s7 =	simm.s32 @p2 $0x1082  }
0x22: {  	[simem:s7], [sflag:s8] =	dma.local @!p0 [hbm:s6], $0xF7A  }
0x23: {  	s9 =	sor.u32 $0xD0000000, s2;
	s6 =	simm.s32 $0x108;
	_ =	swait.ge @!p0 [sflag:s8], $0x0  }
0x24: {  	s3 =	sadd.s32 $0x88, s3;
	s6 =	simm.s32 @!p1 $0x1082;
	[sflag:s4] =	ssyncset.s32 $0xFFFFF086  }
0x25: {  	[simem:s6], [sflag:s4] =	dma.local [hbm:s3], $0xF7A  }
0x26: {  	[smem:$0x3F9B] =	sst s1;
	(tag) =	ssettag s2;
	_ =	strace s9  }
0x27: {  	s1 =	sld [smem:$0x3FAB]  }
0x28: {  	s2 =	sld [smem:$0x3FAC]  }
0x29: {  	s4 =	sld [smem:$0x3FAE]  }
0x2a: {  	p0 =	seq.s32 s5, $0x0;
	s5 =	sld [smem:$0x3FAF]  }
0x2b: {  	s6 =	sld [smem:$0x3FB0]  }
0x2c: {  	s7 =	sld [smem:$0x3FB1]  }
0x2d: {  	s3 =	simm.s32 $0x108;
	s8 =	sld [smem:$0x3FB2]  }
0x2e: {  	s3 =	simm.s32 @!p0 $0x1082;
	s9 =	sld [smem:$0x3FB3]  }
0x2f: {  	lr =	sadd.s32 s0, s3;
	s0 =	sld [smem:$0x3FAA]  }
0x30: {  	s3 =	sld [smem:$0x3FAD]  }
0x31: {  	[smem:$0x3FB6] =	sst s10  }
0x32: {  	s10 =	sld [smem:$0x3FB4];
	_ =	sdelay $0x3  }
0x33: {  	p0 =	seq.s32 s10, $0x1;
	s10 =	sld [smem:$0x3FB6];
	_ =	sdelay $0x3  }
0x34: {  	[smem:$0x3FB6] =	sst s10  }
0x35: {  	s10 =	sld [smem:$0x3FB5];
	_ =	sdelay $0x3  }
0x36: {  	p1 =	seq.s32 s10, $0x1;
	s10 =	sld [smem:$0x3FB6];
	_ =	sdelay $0x3  }
0x37: {  	[smem:$0x3FB6] =	sst s10  }
0x38: {  	s10 =	sld [smem:$0x3FB7]  }
0x39: {  	_ = 	snop;
	(pc) =	sbr.ind lr, $3  }
0x3a: {  	_ = 	snop  }
0x3b: {  	_ = 	snop  }
0x3c: {  	p2 =	seq.s32 s10, $0x1;
	s10 =	sld [smem:$0x3FB6]  }
0x3d: {  	_ =	shalt  }
0x3e: {  	_ =	shalt  }
0x3f: {  	_ =	shalt  }
0x40: {  	_ =	shalt  }
0x41: {  	_ =	shalt  }
0x42: {  	_ =	shalt  }
0x43: {  	_ =	shalt  }
0x44: {  	_ =	shalt  }
0x45: {  	_ =	shalt  }
0x46: {  	_ =	shalt  }
0x47: {  	_ =	shalt  }
0x48: {  	_ =	shalt  }
0x49: {  	_ =	shalt  }
0x4a: {  	_ =	shalt  }
0x4b: {  	_ =	shalt  }
0x4c: {  	_ =	shalt  }
0x4d: {  	_ =	shalt  }
0x4e: {  	_ =	shalt  }
0x4f: {  	_ =	shalt  }
0x50: {  	_ =	shalt  }
0x51: {  	_ =	shalt  }
0x52: {  	_ =	shalt  }
0x53: {  	_ =	shalt  }
0x54: {  	_ =	shalt  }
0x55: {  	_ =	shalt  }
0x56: {  	_ =	shalt  }
0x57: {  	_ =	shalt  }
0x58: {  	_ =	shalt  }
0x59: {  	_ =	shalt  }
0x5a: {  	_ =	shalt  }
0x5b: {  	_ =	shalt  }
0x5c: {  	_ =	shalt  }
0x5d: {  	_ =	shalt  }
0x5e: {  	_ =	shalt  }
0x5f: {  	_ =	shalt  }
0x60: {  	_ =	shalt  }
0x61: {  	_ =	shalt  }
0x62: {  	_ =	shalt  }
0x63: {  	_ =	shalt  }
0x64: {  	_ =	shalt  }
0x65: {  	_ =	shalt  }
0x66: {  	_ =	shalt  }
0x67: {  	_ =	shalt  }
0x68: {  	_ =	shalt  }
0x69: {  	_ =	shalt  }
0x6a: {  	_ =	shalt  }
0x6b: {  	_ =	shalt  }
0x6c: {  	_ =	shalt  }
0x6d: {  	_ =	shalt  }
0x6e: {  	_ =	shalt  }
0x6f: {  	_ =	shalt  }
0x70: {  	_ =	shalt  }
0x71: {  	_ =	shalt  }
0x72: {  	_ =	shalt  }
0x73: {  	_ =	shalt  }
0x74: {  	_ =	shalt  }
0x75: {  	_ =	shalt  }
0x76: {  	_ =	shalt  }
0x77: {  	_ =	shalt  }
0x78: {  	_ =	shalt  }
0x79: {  	_ =	shalt  }
0x7a: {  	_ =	shalt  }
0x7b: {  	_ =	shalt  }
0x7c: {  	_ =	shalt  }
0x7d: {  	_ =	shalt  }
0x7e: {  	_ =	shalt  }
0x7f: {  	_ =	shalt  }
0x80: {  	_ =	shalt  }
0x81: {  	_ =	shalt  }
0x82: {  	_ =	shalt  }
0x83: {  	_ =	shalt  }
0x84: {  	_ =	shalt  }
0x85: {  	_ =	shalt  }
0x86: {  	_ =	shalt  }
0x87: {  	_ =	shalt  }
.Lfunc_end0:
.L_simem_size_0:
called_computation.2_lowered:
.L_overlay_start_0:
0x88: {  	s2 =	sld [smem:$0x3FD9]  }
0x89: {  	s3 =	sld [smem:$0x3FFE];
	_ =	sdelay $0x1  }
0x8a: {  	s1 =	srdreg.scid  }
0x8b: {  	s0 =	sand.u32 $0x1, s1  }
0x8c: {  	s17 =	sshll.u32 s0, $0xA;
	s2 =	sadd.s32 s3, s2  }
0x8d: {  	s2 =	sadd.s32 s2, s17  }
0x8e: {  	[smem:$0x3FC2] =	sst s2  }
0x8f: {  	_ = 	snop  }
0x90: {  	s2 =	sld [smem:$0x3FD0];
	(tm) =	ssettm $0x1  }
0x91: {  	s18 =	sld [smem:$0x3FFB];
	_ =	sdelay $0x3  }
0x92: {  	_ =	strace s18  }
0x93: {  	s3 =	sld [smem:$0x3FFC];
	_ =	sdelay $0x3  }
0x94: {  	_ =	strace s3  }
0x95: {  	s3 =	sld [smem:$0x3FFD];
	_ =	sdelay $0x3  }
0x96: {  	_ =	strace s3  }
0x97: {  	_ =	strace $0x8FFFFFFF  }
0x98: {  	s19 =	sld [smem:$0x3FDB];
	_ =	sdelay $0x1  }
0x99: {  	s4 =	simm.s32 $_scs_section_size  }
0x9a: {  	s5 =	simm.s32 $_size__tile_overlayer_lowered;
	s6 =	simm.s32 $_tile_overlayer_lowered  }
0x9b: {  	s22 =	simm.s32 $0x1BFF;
	s21 =	sshll.u32 s6, $0x1;
	s3 =	sadd.s32 s4, s19  }
0x9c: {  	s7 =	simm.s32 $0x0;
	s20 =	sshll.u32 s5, $0x1;
	s5 =	sadd.s32 s21, s3  }
0x9d: {  	[timem:s7], [sflag:s22] =	dma.local [hbm:s5], s20  }
0x9e: {  	_ =	swait.ge [sflag:s22], s20  }
0x9f: {  	s4 =	ssub.s32 $0x0, s20;
	[sflag:s22] =	ssyncset.done $0x0  }
0xa0: {  	[sflag:s22] =	ssyncadd.s32 s4;
	_ =	sdelay $0x1  }
0xa1: {  	s23 =	simm.s32 $0x1B8B  }
0xa2: {  	_ =	swait.ge [sflag:s23], $0x1  }
0xa3: {  	[sflag:s23] =	ssyncset.done $0x0  }
0xa4: {  	s25 =	simm.s32 $0x1B8E;
	s24 =	sld [smem:$0x3FFE];
	[sflag:s23] =	ssyncadd.s32 $0xFFFFFFFF  }
0xa5: {  	s26 =	simm.s32 $execute0_lowered;
	[smem:$0x3FD2] =	sst s25  }
0xa6: {  	s5 =	sshll.u32 s26, $0x1;
	_ =	strace $0x8000004C;
	[dreg:$0x1] =	wrdreg $0xFFFFFFFF  }
0xa7: {  	s28 =	simm.s32 $_size_execute0_lowered;
	s3 =	sadd.s32 s3, s5;
	[dreg:$0x0] =	wrdreg $0x0  }
0xa8: {  	s5 =	sshll.u32 s28, $0x1;
	[dreg:$0x2] =	wrdreg s3  }
0xa9: {  	[dreg:$0x3] =	wrdreg s5  }
0xaa: {  	[dreg:$0x4] =	wrdreg $0xC0  }
0xab: {  	_ =	task [dreg:s7], $0x5FFFF  }
0xac: {  	[dreg:$0x1] =	wrdreg $0xFFFFFFFF  }
0xad: {  	[dreg:$0x0] =	wrdreg $0x60  }
0xae: {  	[dreg:$0x2] =	wrdreg s24  }
0xaf: {  	[dreg:$0x3] =	wrdreg s2  }
0xb0: {  	[dreg:$0x4] =	wrdreg $0x70000  }
0xb1: {  	[dreg:$0x5] =	wrdreg $0x9  }
0xb2: {  	_ =	task.clear_ibuf [dreg:s7], $0x6FFFF;
	_ =	strace $0x9000004C  }
0xb3: {  	s29 =	simm.s32 $0x9;
	_ =	strace $0x8000004E  }
0xb4: {  	_ =	swait.ge [sflag:s29], $0x1  }
0xb5: {  	[sflag:s29] =	ssyncadd.s32 $0xFFFFFFFF  }
0xb6: {  	_ =	strace $0x9000004E  }
0xb7: {  	_ =	sfence  }
0xb8: {  	s30 =	sld [smem:$0x0];
	_ =	sdelay $0x2  }
0xb9: {  	s31 =	sshll.u32 s1, $0xD;
	s1 =	sshrl.u32 s1, $0x2  }
0xba: {  	s3 =	sand.u32 $0x4000, s31;
	s1 =	sadd.s32 s1, s30  }
0xbb: {  	s0 =	sor.u32 s3, s0;
	s1 =	sshll.u32 s1, $0x11  }
0xbc: {  	s0 =	sor.u32 s1, s0  }
0xbd: {  	s0 =	sadd.s32 $0x8F2B, s0  }
0xbe: {  	[sflag:s0] =	ssyncadd.remote.s32 $0x1  }
0xbf: {  	_ =	sfence.sel $0xFFFF  }
0xc0: {  	[dreg:$0x0] =	wrdreg $0xFFFFFFFF;
	(pc) =	sbr.abs _section_cstart, $3  }
0xc1: {  	[dreg:$0x1] =	wrdreg $0xFFFFFFFF  }
0xc2: {  	_ =	task.clear_ibuf [dreg:s7], $0x2FFFF;
	_ =	strace $0x9FFFFFFF  }
0xc3: {  	(tm) =	ssettm $0x7FFFFFFF  }
tec
execute0_lowered:
.L_overlay_start_1:
0x0: {  	(tag) =	ssettag $0x1  }
0x1: {  	s0 =	rddreg [dreg:$0x0];
	s1 =	srdreg.scid  }
0x2: {  	s10 =	stileid.u32;
	s8 =	rddreg [dreg:$0x1]  }
0x3: {  	s2 =	rddreg [dreg:$0x2];
	s13 =	simm.s32 $0x80;
	s14 =	simm.s32 $0x5000  }
0x4: {  	s15 =	simm.s32 $0x5800;
	s16 =	simm.s32 $0x1;
	s18 =	simm.s32 $0x6000  }
0x5: {  	s19 =	simm.s32 $0x2;
	s21 =	simm.s32 $0x180;
	s22 =	simm.s32 $0x6800  }
0x6: {  	s23 =	simm.s32 $0x3;
	s28 =	simm.s32 $0x4;
	s29 =	simm.s32 $0x2980  }
0x7: {  	s30 =	simm.s32 $0x280;
	s31 =	simm.s32 $0x0;
	s1 =	sand.u32 $0x1, s1  }
0x8: {  	s3 =	sshll.u32 s10, $0x1;
	s7 =	smul.u32 $0x2800, s10;
	s26 =	sshll.u32 s10, $0x6  }
0x9: {  	s10 =	simm.s32 $0x2800;
	s4 =	sor.u32 s1, s3;
	s3 =	simm.s32 $0x0  }
0xa: {  	s24 =	ssub.s32 $0x2, s1;
	s1 =	smul.u32 $0x5000, s1;
	s11 =	sor.u32 $0x1C05, s26  }
0xb: {  	s26 =	simm.s32 $0x200;
	s5 =	smul.u32 $0x500, s4;
	[smem:$0x7FF] =	sst s3  }
0xc: {  	s4 =	sadd.s32 $0x16800, s0;
	s17 =	sshrl.u32 s7, $0x3;
	s9 =	sshrl.u32 s24, $0x1  }
.Ltmp0:
0xd: {  	s12 =	sadd.s32 s7, s2;
	_ =	strace $0x8000004D;
	(pc) =	sbr.rel .LBB2_1-.Ltmp0, $4  }
0xe: {  	s9 =	ssub.s32 s24, s9;
	s25 =	sadd.s32 s8, s1;
	s12 =	sshrl.u32 s12, $0x3  }
0xf: {  	s6 =	sadd.s32 s5, s0;
	s0 =	sadd.s32 s17, s0;
	s8 =	smax.u32 s9, $0x1  }
0x10: {  	s9 =	simm.s32 $0x5;
	s24 =	sadd.s32 s17, s25;
	s25 =	simm.s32 $0x2900  }
0x11: {  	s5 =	sadd.s32 $0x2800, s6;
	s6 =	sadd.s32 $0xC800, s6;
	s7 =	sadd.s32 $0x1B800, s0  }
.LBB2_4:
0x12: {  	_ =	swait.ge [sflag:s28], $0x800  }
0x13: {  	[sflag:s28] =	ssyncset.done $0x0  }
0x14: {  	[sflag:s28] =	ssyncadd.s32 $0xFFFFF800  }
0x15: {  	[spmem:s2] =	stream.indirect.scatter.add.f32 [tilespmem:s22], [sflag:$0x4], $0x10, s17, s13, $0xb8;
	[tilespmem:$0x9800] =	vst v63  }
0x16: {  	_ =	swait.ge [sflag:s19], $0x800  }
0x17: {  	[sflag:s19] =	ssyncset.done $0x0  }
0x18: {  	[sflag:s19] =	ssyncadd.s32 $0xFFFFF800  }
0x19: {  	_ =	swait.ge [sflag:s23], $0x800  }
0x1a: {  	[sflag:s23] =	ssyncset.done $0x0  }
0x1b: {  	[sflag:s23] =	ssyncadd.s32 $0xFFFFF800  }
0x1c: {  	_ =	swait.ge [sflag:s28], $0x800  }
0x1d: {  	s31 =	sadd.s32 $0x1, s31;
	[sflag:s28] =	ssyncset.done $0x0  }
0x1e: {  	p0 =	sne.s32 s31, s8;
	[sflag:s28] =	ssyncadd.s32 $0xFFFFF800  }
.Ltmp1:
0x1f: {  	[bflag:$0x0] =	sbarrier.arrive $0xFFFF;
	(pc) =	sbr.rel @!p0 .LBB2_5-.Ltmp1, $4  }
0x20: {  	[hbm:s24], [sflag:s11] =	dma.local [spmem:s12], $0x500  }
0x21: {  	_ =	swait.ge [sflag:s9], $0x500  }
0x22: {  	[sflag:s9] =	ssyncset.done $0x0  }
0x23: {  	[sflag:s9] =	ssyncadd.s32 $0xFFFFFB00  }
.LBB2_1:
0x24: {  	[tilespmem:s3], [sflag:$0x5] =	stream.linear.gather [hbm4b:s5+s3], $0x2800, $0x38;
	[tilespmem:$0x9800] =	vst v63  }
0x25: {  	_ =	swait.ge [sflag:s9], $0x2800  }
0x26: {  	[sflag:s9] =	ssyncset.done $0x0  }
0x27: {  	[sflag:s9] =	ssyncadd.s32 $0xFFFFD800  }
0x28: {  	[tilespmem:s10], [sflag:$0x5] =	stream.linear.gather [hbm4b:s6+s3], $0x2800, $0x38;
	[tilespmem:$0x9800] =	vst v63  }
0x29: {  	_ =	swait.ge [sflag:s9], $0x2800  }
0x2a: {  	[sflag:s9] =	ssyncset.done $0x0  }
0x2b: {  	[sflag:s9] =	ssyncadd.s32 $0xFFFFD800  }
0x2c: {  	[spmem:s12], [sflag:s11] =	dma.local [hbm:s7], $0x500  }
0x2d: {  	_ =	swait.ge [sflag:s9], $0x500  }
0x2e: {  	[sflag:s9] =	ssyncset.done $0x0  }
0x2f: {  	[sflag:s9] =	ssyncadd.s32 $0xFFFFFB00  }
0x30: {  	[bflag:$0x0] =	sbarrier.arrive $0xFFFF  }
0x31: {  	[tilespmem:s14], [sflag:$0x1] =	stream.indirect.gather [hbm4b:s4+s13], $0x10, s3, s13, $0xb8;
	[tilespmem:$0x9800] =	vst v63  }
0x32: {  	_ = 	snop  }
0x33: {  	[tilespmem:s15], [sflag:$0x2] =	stream.indirect.gather [hbm4b:s4+s13], $0x10, s13, s13, $0xb8;
	[tilespmem:$0x9800] =	vst v63  }
0x34: {  	_ =	swait.ge [sflag:s16], $0x800  }
0x35: {  	[sflag:s16] =	ssyncset.done $0x0  }
0x36: {  	[sflag:s16] =	ssyncadd.s32 $0xFFFFF800  }
0x37: {  	[spmem:s2] =	stream.indirect.scatter.add.f32 [tilespmem:s14], [sflag:$0x1], $0x10, s10, s13, $0xb8;
	[tilespmem:$0x9800] =	vst v63  }
0x38: {  	s0 =	simm.s32 $0x100  }
0x39: {  	[tilespmem:s18], [sflag:$0x3] =	stream.indirect.gather [hbm4b:s4+s13], $0x10, s0, s13, $0xb8;
	[tilespmem:$0x9800] =	vst v63  }
0x3a: {  	_ =	swait.ge [sflag:s19], $0x800  }
0x3b: {  	[sflag:s19] =	ssyncset.done $0x0  }
0x3c: {  	s20 =	simm.s32 $0x2880;
	[sflag:s19] =	ssyncadd.s32 $0xFFFFF800  }
0x3d: {  	[spmem:s2] =	stream.indirect.scatter.add.f32 [tilespmem:s15], [sflag:$0x2], $0x10, s20, s13, $0xb8;
	[tilespmem:$0x9800] =	vst v63  }
0x3e: {  	_ = 	snop  }
0x3f: {  	[tilespmem:s22], [sflag:$0x4] =	stream.indirect.gather [hbm4b:s4+s13], $0x10, s21, s13, $0xb8;
	[tilespmem:$0x9800] =	vst v63  }
0x40: {  	_ =	swait.ge [sflag:s23], $0x800  }
0x41: {  	[sflag:s23] =	ssyncset.done $0x0  }
0x42: {  	[sflag:s23] =	ssyncadd.s32 $0xFFFFF800  }
0x43: {  	[spmem:s2] =	stream.indirect.scatter.add.f32 [tilespmem:s18], [sflag:$0x3], $0x10, s25, s13, $0xb8;
	[tilespmem:$0x9800] =	vst v63  }
0x44: {  	_ =	swait.ge [sflag:s16], $0x800  }
0x45: {  	[sflag:s16] =	ssyncset.done $0x0  }
0x46: {  	[sflag:s16] =	ssyncadd.s32 $0xFFFFF800  }
0x47: {  	[tilespmem:s14], [sflag:$0x1] =	stream.indirect.gather [hbm4b:s4+s13], $0x10, s26, s13, $0xb8;
	[tilespmem:$0x9800] =	vst v63  }
0x48: {  	_ =	swait.ge [sflag:s28], $0x800  }
0x49: {  	[sflag:s28] =	ssyncset.done $0x0  }
0x4a: {  	[sflag:s28] =	ssyncadd.s32 $0xFFFFF800  }
0x4b: {  	[spmem:s2] =	stream.indirect.scatter.add.f32 [tilespmem:s22], [sflag:$0x4], $0x10, s29, s13, $0xb8;
	[tilespmem:$0x9800] =	vst v63  }
0x4c: {  	_ =	swait.ge [sflag:s19], $0x800  }
0x4d: {  	[sflag:s19] =	ssyncset.done $0x0  }
0x4e: {  	s1 =	simm.s32 $0x0;
	[sflag:s19] =	ssyncadd.s32 $0xFFFFF800  }
0x4f: {  	[tilespmem:s15], [sflag:$0x2] =	stream.indirect.gather [hbm4b:s4+s13], $0x10, s30, s13, $0xb8;
	[tilespmem:$0x9800] =	vst v63  }
.LBB2_2:
0x50: {  	_ =	swait.ge [sflag:s16], $0x800  }
0x51: {  	s0 =	sshra.s32 s1, $0x2;
	[sflag:s16] =	ssyncset.done $0x0  }
0x52: {  	s17 =	sadd.s32 $0x2A00, s0;
	[sflag:s16] =	ssyncadd.s32 $0xFFFFF800  }
0x53: {  	[spmem:s2] =	stream.indirect.scatter.add.f32 [tilespmem:s14], [sflag:$0x1], $0x10, s17, s13, $0xb8;
	[tilespmem:$0x9800] =	vst v63  }
0x54: {  	_ =	swait.ge [sflag:s23], $0x800  }
0x55: {  	[sflag:s23] =	ssyncset.done $0x0  }
0x56: {  	s20 =	sadd.s32 $0x300, s0;
	[sflag:s23] =	ssyncadd.s32 $0xFFFFF800  }
0x57: {  	[tilespmem:s18], [sflag:$0x3] =	stream.indirect.gather [hbm4b:s4+s13], $0x10, s20, s13, $0xb8;
	[tilespmem:$0x9800] =	vst v63  }
0x58: {  	_ =	swait.ge [sflag:s19], $0x800  }
0x59: {  	[sflag:s19] =	ssyncset.done $0x0  }
0x5a: {  	s20 =	sadd.s32 $0x2A80, s0;
	[sflag:s19] =	ssyncadd.s32 $0xFFFFF800  }
0x5b: {  	[spmem:s2] =	stream.indirect.scatter.add.f32 [tilespmem:s15], [sflag:$0x2], $0x10, s20, s13, $0xb8;
	[tilespmem:$0x9800] =	vst v63  }
0x5c: {  	_ =	swait.ge [sflag:s28], $0x800  }
0x5d: {  	[sflag:s28] =	ssyncset.done $0x0  }
0x5e: {  	s20 =	sadd.s32 $0x380, s0;
	[sflag:s28] =	ssyncadd.s32 $0xFFFFF800  }
0x5f: {  	[tilespmem:s22], [sflag:$0x4] =	stream.indirect.gather [hbm4b:s4+s13], $0x10, s20, s13, $0xb8;
	[tilespmem:$0x9800] =	vst v63  }
0x60: {  	_ =	swait.ge [sflag:s23], $0x800  }
0x61: {  	p0 =	seq.s32 s1, $0x9000;
	[sflag:s23] =	ssyncset.done $0x0  }
.Ltmp2:
0x62: {  	s20 =	sadd.s32 $0x2B00, s0;
	[sflag:s23] =	ssyncadd.s32 $0xFFFFF800;
	(pc) =	sbr.rel @p0 .LBB2_4-.Ltmp2, $4  }
0x63: {  	[spmem:s2] =	stream.indirect.scatter.add.f32 [tilespmem:s18], [sflag:$0x3], $0x10, s20, s13, $0xb8;
	[tilespmem:$0x9800] =	vst v63  }
0x64: {  	_ =	swait.ge [sflag:s16], $0x800  }
0x65: {  	[sflag:s16] =	ssyncset.done $0x0  }
0x66: {  	s17 =	sadd.s32 $0x2B80, s0;
	[sflag:s16] =	ssyncadd.s32 $0xFFFFF800  }
0x67: {  	s20 =	sadd.s32 $0x400, s0  }
0x68: {  	[tilespmem:s14], [sflag:$0x1] =	stream.indirect.gather [hbm4b:s4+s13], $0x10, s20, s13, $0xb8;
	[tilespmem:$0x9800] =	vst v63  }
0x69: {  	_ =	swait.ge [sflag:s28], $0x800  }
0x6a: {  	[sflag:s28] =	ssyncset.done $0x0  }
0x6b: {  	[sflag:s28] =	ssyncadd.s32 $0xFFFFF800  }
0x6c: {  	[spmem:s2] =	stream.indirect.scatter.add.f32 [tilespmem:s22], [sflag:$0x4], $0x10, s17, s13, $0xb8;
	[tilespmem:$0x9800] =	vst v63  }
.Ltmp3:
0x6d: {  	_ = 	snop;
	(pc) =	sbr.rel .LBB2_2-.Ltmp3, $4  }
0x6e: {  	_ =	swait.ge [sflag:s19], $0x800  }
0x6f: {  	[sflag:s19] =	ssyncset.done $0x0  }
0x70: {  	s1 =	sadd.s32 $0x800, s1;
	s20 =	sadd.s32 $0x480, s0;
	[sflag:s19] =	ssyncadd.s32 $0xFFFFF800  }
0x71: {  	[tilespmem:s15], [sflag:$0x2] =	stream.indirect.gather [hbm4b:s4+s13], $0x10, s20, s13, $0xb8;
	[tilespmem:$0x9800] =	vst v63  }
.LBB2_5:
0x72: {  	_ =	sfence.sel $0x180000  }
0x73: {  	[bflag:$0x0] =	sbarrier.arrive $0xFFFF  }
0x74: {  	_ =	strace $0x9000004D  }
0x75: {  	s0 =	stileid.u32;
	[bflag:$0x2] =	sbarrier.arrive $0xFFFF  }
0x76: {  	p0 =	sne.s32 s0, $0x0;
	s0 =	rddreg [dreg:$0x3]  }
0x77: {  	s0 =	sadd.s32 @!p0 $0x100000, s0  }
0x78: {  	[sflag:s0] =	ssyncadd.tile.s32 @!p0 $0x1;
	_ =	shalt  }
.Lfunc_end2:
_tile_overlayer_lowered:
.L_overlay_start_2:
0x79: {  	(tag) =	ssettag $0x2  }
0x7a: {  	s0 =	rddreg [dreg:$0x0];
	s2 =	stileid.u32  }
0x7b: {  	s1 =	rddreg [dreg:$0x1];
	p0 =	sne.s32 s2, $0x0  }
0x7c: {  	s3 =	rddreg [dreg:$0x2];
	[bflag:$0x3] =	sbarrier.arrive $0xFFFF;
	s2 =	simm.s32 @!p0 $0x1C05  }
0x7d: {  	[timem:s3], [sflag:s2] =	dma.local @!p0 [hbm:s0], s1  }
0x7e: {  	s0 =	simm.s32 @!p0 $0x5  }
0x7f: {  	_ =	swait.ge @!p0 [sflag:s0], s1  }
0x80: {  	s1 =	ssub.s32 @!p0 $0x0, s1;
	[sflag:s0] =	ssyncset.done @!p0 $0x0  }
0x81: {  	[sflag:s0] =	ssyncadd.s32 @!p0 s1  }
0x82: {  	[bflag:$0x3] =	sbarrier.arrive $0xFFFF  }
0x83: {  	_ =	shalt  }

// kernel: kernel.9.cloned.1.call-start
scs
__scs_entry_jumppad:
0x0: {  	(pc) =	sbr.rel $0x88, $3  }
0x1: {  	(tag) =	ssettag $0x0;
	lr =	simm.s32 $0x1  }
0x2: {  	[smem:$0x3F9B] =	sst lr;
	_ =	strace $0xD0000000  }
0x3: {  	_ = 	snop  }
0x4: {  	_ = 	snop  }
0x5: {  	_ = 	snop  }
0x6: {  	_ = 	snop  }
0x7: {  	_ = 	snop  }
__scs_overlays_trampoline_lowered:
0x8: {  	[smem:$0x3FAA] =	sst s0  }
0x9: {  	[smem:$0x3FAB] =	sst s1  }
0xa: {  	[smem:$0x3FAC] =	sst s2  }
0xb: {  	[smem:$0x3FAD] =	sst s3  }
0xc: {  	[smem:$0x3FAE] =	sst s4  }
0xd: {  	[smem:$0x3FAF] =	sst s5  }
0xe: {  	[smem:$0x3FB0] =	sst s6  }
0xf: {  	[smem:$0x3FB1] =	sst s7  }
0x10: {  	[smem:$0x3FB2] =	sst s8  }
0x11: {  	[smem:$0x3FB3] =	sst s9;
	s0 =	simm.s32 @!p0 $0x0  }
0x12: {  	s1 =	sld [smem:$0x3F99];
	s0 =	simm.s32 @p0 $0x1  }
0x13: {  	[smem:$0x3FB4] =	sst s0;
	s0 =	simm.s32 @!p1 $0x0  }
0x14: {  	s2 =	sld [smem:$0x3F98];
	s0 =	simm.s32 @p1 $0x1  }
0x15: {  	[smem:$0x3FB5] =	sst s0;
	s0 =	simm.s32 @!p2 $0x0  }
0x16: {  	s3 =	sld [smem:$0x3FDB];
	s0 =	simm.s32 @p2 $0x1  }
0x17: {  	s4 =	simm.s32 $0x1BF5;
	[smem:$0x3FB7] =	sst s0  }
0x18: {  	s0 =	sld [smem:$0x3F9A];
	_ =	swait.ge [sflag:s4], $0x0  }
0x19: {  	s7 =	sld [smem:$0x3F9B]  }
0x1a: {  	s8 =	sadd.s32 $0xFFFFE003, lr  }
0x1b: {  	s9 =	sadd.s32 $0xFFFFFEF7, lr;
	s5 =	simm.s32 $0xFFFFFFFF;
	p2 =	slt.u32 s8, $0xFFFFF086  }
0x1c: {  	p1 =	slt.u32 s9, $0xF7A;
	s5 =	simm.s32 @!p2 $0x0  }
0x1d: {  	s5 =	simm.s32 @p1 $0x1;
	p0 =	seq.s32 s7, s2  }
0x1e: {  	s7 =	smul.u32 @!p0 $0xF7A, s2;
	p2 =	seq.s32 @!p0 s5, $0x0  }
0x1f: {  	s9 =	smul.u32 $0xF7A, s1;
	s8 =	simm.s32 @!p0 $0x1BF5;
	p2 =	por !p2, p0  }
0x20: {  	[sflag:s8] =	ssyncset.s32 @!p0 $0xFFFFF086;
	s6 =	sadd.s32 @!p0 s3, s7;
	s7 =	simm.s32 @!p0 $0x108  }
0x21: {  	s3 =	sadd.s32 s3, s9;
	s6 =	sadd.s32 @!p0 $0x88, s6;
	s7 =	simm.s32 @p2 $0x1082  }
0x22: {  	[simem:s7], [sflag:s8] =	dma.local @!p0 [hbm:s6], $0xF7A  }
0x23: {  	s9 =	sor.u32 $0xD0000000, s2;
	s6 =	simm.s32 $0x108;
	_ =	swait.ge @!p0 [sflag:s8], $0x0  }
0x24: {  	s3 =	sadd.s32 $0x88, s3;
	s6 =	simm.s32 @!p1 $0x1082;
	[sflag:s4] =	ssyncset.s32 $0xFFFFF086  }
0x25: {  	[simem:s6], [sflag:s4] =	dma.local [hbm:s3], $0xF7A  }
0x26: {  	[smem:$0x3F9B] =	sst s1;
	(tag) =	ssettag s2;
	_ =	strace s9  }
0x27: {  	s1 =	sld [smem:$0x3FAB]  }
0x28: {  	s2 =	sld [smem:$0x3FAC]  }
0x29: {  	s4 =	sld [smem:$0x3FAE]  }
0x2a: {  	p0 =	seq.s32 s5, $0x0;
	s5 =	sld [smem:$0x3FAF]  }
0x2b: {  	s6 =	sld [smem:$0x3FB0]  }
0x2c: {  	s7 =	sld [smem:$0x3FB1]  }
0x2d: {  	s3 =	simm.s32 $0x108;
	s8 =	sld [smem:$0x3FB2]  }
0x2e: {  	s3 =	simm.s32 @!p0 $0x1082;
	s9 =	sld [smem:$0x3FB3]  }
0x2f: {  	lr =	sadd.s32 s0, s3;
	s0 =	sld [smem:$0x3FAA]  }
0x30: {  	s3 =	sld [smem:$0x3FAD]  }
0x31: {  	[smem:$0x3FB6] =	sst s10  }
0x32: {  	s10 =	sld [smem:$0x3FB4];
	_ =	sdelay $0x3  }
0x33: {  	p0 =	seq.s32 s10, $0x1;
	s10 =	sld [smem:$0x3FB6];
	_ =	sdelay $0x3  }
0x34: {  	[smem:$0x3FB6] =	sst s10  }
0x35: {  	s10 =	sld [smem:$0x3FB5];
	_ =	sdelay $0x3  }
0x36: {  	p1 =	seq.s32 s10, $0x1;
	s10 =	sld [smem:$0x3FB6];
	_ =	sdelay $0x3  }
0x37: {  	[smem:$0x3FB6] =	sst s10  }
0x38: {  	s10 =	sld [smem:$0x3FB7]  }
0x39: {  	_ = 	snop;
	(pc) =	sbr.ind lr, $3  }
0x3a: {  	_ = 	snop  }
0x3b: {  	_ = 	snop  }
0x3c: {  	p2 =	seq.s32 s10, $0x1;
	s10 =	sld [smem:$0x3FB6]  }
0x3d: {  	_ =	shalt  }
0x3e: {  	_ =	shalt  }
0x3f: {  	_ =	shalt  }
0x40: {  	_ =	shalt  }
0x41: {  	_ =	shalt  }
0x42: {  	_ =	shalt  }
0x43: {  	_ =	shalt  }
0x44: {  	_ =	shalt  }
0x45: {  	_ =	shalt  }
0x46: {  	_ =	shalt  }
0x47: {  	_ =	shalt  }
0x48: {  	_ =	shalt  }
0x49: {  	_ =	shalt  }
0x4a: {  	_ =	shalt  }
0x4b: {  	_ =	shalt  }
0x4c: {  	_ =	shalt  }
0x4d: {  	_ =	shalt  }
0x4e: {  	_ =	shalt  }
0x4f: {  	_ =	shalt  }
0x50: {  	_ =	shalt  }
0x51: {  	_ =	shalt  }
0x52: {  	_ =	shalt  }
0x53: {  	_ =	shalt  }
0x54: {  	_ =	shalt  }
0x55: {  	_ =	shalt  }
0x56: {  	_ =	shalt  }
0x57: {  	_ =	shalt  }
0x58: {  	_ =	shalt  }
0x59: {  	_ =	shalt  }
0x5a: {  	_ =	shalt  }
0x5b: {  	_ =	shalt  }
0x5c: {  	_ =	shalt  }
0x5d: {  	_ =	shalt  }
0x5e: {  	_ =	shalt  }
0x5f: {  	_ =	shalt  }
0x60: {  	_ =	shalt  }
0x61: {  	_ =	shalt  }
0x62: {  	_ =	shalt  }
0x63: {  	_ =	shalt  }
0x64: {  	_ =	shalt  }
0x65: {  	_ =	shalt  }
0x66: {  	_ =	shalt  }
0x67: {  	_ =	shalt  }
0x68: {  	_ =	shalt  }
0x69: {  	_ =	shalt  }
0x6a: {  	_ =	shalt  }
0x6b: {  	_ =	shalt  }
0x6c: {  	_ =	shalt  }
0x6d: {  	_ =	shalt  }
0x6e: {  	_ =	shalt  }
0x6f: {  	_ =	shalt  }
0x70: {  	_ =	shalt  }
0x71: {  	_ =	shalt  }
0x72: {  	_ =	shalt  }
0x73: {  	_ =	shalt  }
0x74: {  	_ =	shalt  }
0x75: {  	_ =	shalt  }
0x76: {  	_ =	shalt  }
0x77: {  	_ =	shalt  }
0x78: {  	_ =	shalt  }
0x79: {  	_ =	shalt  }
0x7a: {  	_ =	shalt  }
0x7b: {  	_ =	shalt  }
0x7c: {  	_ =	shalt  }
0x7d: {  	_ =	shalt  }
0x7e: {  	_ =	shalt  }
0x7f: {  	_ =	shalt  }
0x80: {  	_ =	shalt  }
0x81: {  	_ =	shalt  }
0x82: {  	_ =	shalt  }
0x83: {  	_ =	shalt  }
0x84: {  	_ =	shalt  }
0x85: {  	_ =	shalt  }
0x86: {  	_ =	shalt  }
0x87: {  	_ =	shalt  }
.Lfunc_end0:
.L_simem_size_0:
called_computation_lowered:
.L_overlay_start_0:
0x88: {  	s2 =	sld [smem:$0x3FD9]  }
0x89: {  	s3 =	sld [smem:$0x3FFE];
	_ =	sdelay $0x1  }
0x8a: {  	s1 =	srdreg.scid  }
0x8b: {  	s0 =	sand.u32 $0x1, s1  }
0x8c: {  	s17 =	sshll.u32 s0, $0xA;
	s2 =	sadd.s32 s3, s2  }
0x8d: {  	s2 =	sadd.s32 s2, s17  }
0x8e: {  	[smem:$0x3FC2] =	sst s2  }
0x8f: {  	_ = 	snop  }
0x90: {  	s2 =	sld [smem:$0x3FD0];
	(tm) =	ssettm $0x1  }
0x91: {  	s18 =	sld [smem:$0x3FFB];
	_ =	sdelay $0x3  }
0x92: {  	_ =	strace s18  }
0x93: {  	s3 =	sld [smem:$0x3FFC];
	_ =	sdelay $0x3  }
0x94: {  	_ =	strace s3  }
0x95: {  	s3 =	sld [smem:$0x3FFD];
	_ =	sdelay $0x3  }
0x96: {  	_ =	strace s3  }
0x97: {  	_ =	strace $0x8FFFFFFF  }
0x98: {  	s19 =	sld [smem:$0x3FDB];
	_ =	sdelay $0x1  }
0x99: {  	s4 =	simm.s32 $_scs_section_size  }
0x9a: {  	s5 =	simm.s32 $_size__tile_overlayer_lowered;
	s6 =	simm.s32 $_tile_overlayer_lowered  }
0x9b: {  	s22 =	simm.s32 $0x1BFF;
	s21 =	sshll.u32 s6, $0x1;
	s3 =	sadd.s32 s4, s19  }
0x9c: {  	s7 =	simm.s32 $0x0;
	s20 =	sshll.u32 s5, $0x1;
	s5 =	sadd.s32 s21, s3  }
0x9d: {  	[timem:s7], [sflag:s22] =	dma.local [hbm:s5], s20  }
0x9e: {  	_ =	swait.ge [sflag:s22], s20  }
0x9f: {  	s4 =	ssub.s32 $0x0, s20;
	[sflag:s22] =	ssyncset.done $0x0  }
0xa0: {  	[sflag:s22] =	ssyncadd.s32 s4;
	_ =	sdelay $0x1  }
0xa1: {  	s23 =	simm.s32 $0x1B8B  }
0xa2: {  	_ =	swait.ge [sflag:s23], $0x1  }
0xa3: {  	[sflag:s23] =	ssyncset.done $0x0  }
0xa4: {  	s25 =	simm.s32 $0x1B8E;
	s24 =	sld [smem:$0x3FFE];
	[sflag:s23] =	ssyncadd.s32 $0xFFFFFFFF  }
0xa5: {  	s26 =	simm.s32 $execute0_lowered;
	[smem:$0x3FD2] =	sst s25  }
0xa6: {  	s5 =	sshll.u32 s26, $0x1;
	_ =	strace $0x80000046;
	[dreg:$0x1] =	wrdreg $0xFFFFFFFF  }
0xa7: {  	s28 =	simm.s32 $_size_execute0_lowered;
	s3 =	sadd.s32 s3, s5;
	[dreg:$0x0] =	wrdreg $0x0  }
0xa8: {  	s5 =	sshll.u32 s28, $0x1;
	[dreg:$0x2] =	wrdreg s3  }
0xa9: {  	[dreg:$0x3] =	wrdreg s5  }
0xaa: {  	[dreg:$0x4] =	wrdreg $0xC0  }
0xab: {  	_ =	task [dreg:s7], $0x5FFFF  }
0xac: {  	[dreg:$0x1] =	wrdreg $0xFFFFFFFF  }
0xad: {  	[dreg:$0x0] =	wrdreg $0x60  }
0xae: {  	[dreg:$0x2] =	wrdreg s2  }
0xaf: {  	[dreg:$0x3] =	wrdreg s24  }
0xb0: {  	[dreg:$0x4] =	wrdreg $0x28800  }
0xb1: {  	[dreg:$0x5] =	wrdreg $0x9  }
0xb2: {  	_ =	task.clear_ibuf [dreg:s7], $0x6FFFF;
	_ =	strace $0x90000046  }
0xb3: {  	s29 =	simm.s32 $0x9;
	_ =	strace $0x80000048  }
0xb4: {  	_ =	swait.ge [sflag:s29], $0x1  }
0xb5: {  	[sflag:s29] =	ssyncadd.s32 $0xFFFFFFFF  }
0xb6: {  	_ =	strace $0x90000048  }
0xb7: {  	_ =	sfence  }
0xb8: {  	s30 =	sld [smem:$0x0];
	_ =	sdelay $0x2  }
0xb9: {  	s31 =	sshll.u32 s1, $0xD;
	s1 =	sshrl.u32 s1, $0x2  }
0xba: {  	s3 =	sand.u32 $0x4000, s31;
	s1 =	sadd.s32 s1, s30  }
0xbb: {  	s0 =	sor.u32 s3, s0;
	s1 =	sshll.u32 s1, $0x11  }
0xbc: {  	s0 =	sor.u32 s1, s0  }
0xbd: {  	s0 =	sadd.s32 $0x8F2B, s0  }
0xbe: {  	[sflag:s0] =	ssyncadd.remote.s32 $0x1  }
0xbf: {  	_ =	sfence.sel $0xFFFF  }
0xc0: {  	[dreg:$0x0] =	wrdreg $0xFFFFFFFF;
	(pc) =	sbr.abs _section_cstart, $3  }
0xc1: {  	[dreg:$0x1] =	wrdreg $0xFFFFFFFF  }
0xc2: {  	_ =	task.clear_ibuf [dreg:s7], $0x2FFFF;
	_ =	strace $0x9FFFFFFF  }
0xc3: {  	(tm) =	ssettm $0x7FFFFFFF  }
tec
execute0_lowered:
.L_overlay_start_1:
0x0: {  	(tag) =	ssettag $0x1  }
0x1: {  	s5 =	rddreg [dreg:$0x0]  }
0x2: {  	s6 =	rddreg [dreg:$0x1]  }
0x3: {  	s2 =	rddreg [dreg:$0x2]  }
0x4: {  	s0 =	rddreg [dreg:$0x3];
	s1 =	stileid.u32  }
0x5: {  	s3 =	simm.s32 $0x0;
	s4 =	srdreg.scid;
	s13 =	simm.s32 $0x100  }
0x6: {  	s14 =	simm.s32 $0x180;
	s15 =	simm.s32 $0x1;
	s16 =	simm.s32 $0x2  }
0x7: {  	s17 =	simm.s32 $0x3;
	s18 =	simm.s32 $0x4;
	s21 =	simm.s32 $0x10  }
0x8: {  	s22 =	simm.s32 $0x0;
	s7 =	smul.u32 $0x280, s1;
	[smem:$0x7FF] =	sst s3  }
0x9: {  	s8 =	sand.u32 $0x1, s4;
	s29 =	sshll.u32 s1, $0x1;
	s20 =	smul.u32 $0xA0, s1  }
0xa: {  	s31 =	sshll.u32 s1, $0x6;
	_ =	strace $0x80000047;
	s4 =	sor.u32 s8, s29  }
0xb: {  	s10 =	ssub.s32 $0x2, s8;
	s8 =	sshll.u32 s8, $0x4;
	s9 =	sshrl.u32 s7, $0x3  }
0xc: {  	s11 =	smul.u32 $0x500, s4;
	s4 =	sadd.s32 $0x1600, s6;
	s12 =	sshrl.u32 s10, $0x1  }
0xd: {  	s8 =	sadd.s32 s8, s6;
	s30 =	sadd.s32 s7, s2;
	s9 =	sadd.s32 s9, s6  }
0xe: {  	s10 =	ssub.s32 s10, s12;
	s19 =	sadd.s32 $0x1E00, s8;
	s8 =	simm.s32 $0x5  }
0xf: {  	s12 =	simm.s32 $0x80;
	s5 =	sadd.s32 s5, s11;
	s6 =	sadd.s32 $0x1800, s9  }
0x10: {  	s7 =	smax.u32 s10, $0x1;
	s9 =	simm.s32 $0x2800;
	s10 =	sor.u32 $0x1C05, s31  }
0x11: {  	s11 =	sshrl.u32 s30, $0x3;
	s19 =	sadd.s32 s20, s19;
	s20 =	simm.s32 $0x20  }
.LBB2_1:
0x12: {  	[tilespmem:s3], [sflag:$0x5] =	stream.linear.gather [hbm4b:s5+s3], $0x2800, $0x38;
	[tilespmem:$0x2B00] =	vst v63  }
0x13: {  	_ =	swait.ge [sflag:s8], $0x2800  }
0x14: {  	[sflag:s8] =	ssyncset.done $0x0  }
0x15: {  	[sflag:s8] =	ssyncadd.s32 $0xFFFFD800  }
0x16: {  	[tilespmem:s9], [sflag:$0x5] =	stream.linear.gather [hbm4b:s4+s3], $0x80, $0x38;
	[tilespmem:$0x2B00] =	vst v63  }
0x17: {  	_ =	swait.ge [sflag:s8], $0x80  }
0x18: {  	[sflag:s8] =	ssyncset.done $0x0  }
0x19: {  	[sflag:s8] =	ssyncadd.s32 $0xFFFFFF80  }
0x1a: {  	[spmem:s11], [sflag:s10] =	dma.local [hbm:s6], $0x50  }
0x1b: {  	_ =	swait.ge [sflag:s8], $0x50  }
0x1c: {  	[sflag:s8] =	ssyncset.done $0x0  }
0x1d: {  	[sflag:s8] =	ssyncadd.s32 $0xFFFFFFB0  }
0x1e: {  	[bflag:$0x0] =	sbarrier.arrive $0xFFFF  }
0x1f: {  	[spmem:s2] =	stream.indirect.scatter.add.f32 [tilespmem:s9], [sflag:$0x1], $0x1, s3, s12, $0xb8;
	[tilespmem:$0x2B00] =	vst v63  }
0x20: {  	_ = 	snop  }
0x21: {  	[spmem:s2] =	stream.indirect.scatter.add.f32 [tilespmem:s9], [sflag:$0x2], $0x1, s12, s12, $0xb8;
	[tilespmem:$0x2B00] =	vst v63  }
0x22: {  	_ = 	snop  }
0x23: {  	[spmem:s2] =	stream.indirect.scatter.add.f32 [tilespmem:s9], [sflag:$0x3], $0x1, s13, s12, $0xb8;
	[tilespmem:$0x2B00] =	vst v63  }
0x24: {  	_ = 	snop  }
0x25: {  	[spmem:s2] =	stream.indirect.scatter.add.f32 [tilespmem:s9], [sflag:$0x4], $0x1, s14, s12, $0xb8;
	[tilespmem:$0x2B00] =	vst v63  }
0x26: {  	_ =	swait.ge [sflag:s15], $0x80  }
0x27: {  	[sflag:s15] =	ssyncset.done $0x0  }
0x28: {  	s23 =	simm.s32 $0x200;
	[sflag:s15] =	ssyncadd.s32 $0xFFFFFF80  }
0x29: {  	[spmem:s2] =	stream.indirect.scatter.add.f32 [tilespmem:s9], [sflag:$0x1], $0x1, s23, s12, $0xb8;
	[tilespmem:$0x2B00] =	vst v63  }
0x2a: {  	_ =	swait.ge [sflag:s16], $0x80  }
0x2b: {  	[sflag:s16] =	ssyncset.done $0x0  }
0x2c: {  	s30 =	simm.s32 $0x280;
	[sflag:s16] =	ssyncadd.s32 $0xFFFFFF80  }
0x2d: {  	[spmem:s2] =	stream.indirect.scatter.add.f32 [tilespmem:s9], [sflag:$0x2], $0x1, s30, s12, $0xb8;
	[tilespmem:$0x2B00] =	vst v63  }
0x2e: {  	_ =	swait.ge [sflag:s17], $0x80  }
0x2f: {  	[sflag:s17] =	ssyncset.done $0x0  }
0x30: {  	s31 =	simm.s32 $0x300;
	[sflag:s17] =	ssyncadd.s32 $0xFFFFFF80  }
0x31: {  	[spmem:s2] =	stream.indirect.scatter.add.f32 [tilespmem:s9], [sflag:$0x3], $0x1, s31, s12, $0xb8;
	[tilespmem:$0x2B00] =	vst v63  }
0x32: {  	_ =	swait.ge [sflag:s18], $0x80  }
0x33: {  	[sflag:s18] =	ssyncset.done $0x0  }
0x34: {  	s24 =	simm.s32 $0x380;
	s23 =	simm.s32 $0xFFFF7000;
	[sflag:s18] =	ssyncadd.s32 $0xFFFFFF80  }
.LBB2_2:
0x35: {  	[spmem:s2] =	stream.indirect.scatter.add.f32 [tilespmem:s9], [sflag:$0x4], $0x1, s24, s12, $0xb8;
	[tilespmem:$0x2B00] =	vst v63  }
0x36: {  	s24 =	smov.u32 s23  }
0x37: {  	p0 =	sne.s32 s23, $0xFFFFF800;
	s23 =	sadd.s32 $0x800, s23;
	_ =	swait.ge [sflag:s15], $0x80  }
0x38: {  	s24 =	sshra.s32 s24, $0x2;
	[sflag:s15] =	ssyncset.done $0x0  }
0x39: {  	s25 =	sadd.s32 $0x2800, s24;
	[sflag:s15] =	ssyncadd.s32 $0xFFFFFF80  }
0x3a: {  	[spmem:s2] =	stream.indirect.scatter.add.f32 [tilespmem:s9], [sflag:$0x1], $0x1, s25, s12, $0xb8;
	[tilespmem:$0x2B00] =	vst v63  }
0x3b: {  	_ =	swait.ge [sflag:s16], $0x80  }
0x3c: {  	[sflag:s16] =	ssyncset.done $0x0  }
0x3d: {  	s25 =	sadd.s32 $0x2880, s24;
	[sflag:s16] =	ssyncadd.s32 $0xFFFFFF80  }
0x3e: {  	[spmem:s2] =	stream.indirect.scatter.add.f32 [tilespmem:s9], [sflag:$0x2], $0x1, s25, s12, $0xb8;
	[tilespmem:$0x2B00] =	vst v63  }
0x3f: {  	_ =	swait.ge [sflag:s17], $0x80  }
0x40: {  	[sflag:s17] =	ssyncset.done $0x0  }
.Ltmp0:
0x41: {  	s25 =	sadd.s32 $0x2900, s24;
	[sflag:s17] =	ssyncadd.s32 $0xFFFFFF80;
	(pc) =	sbr.rel @p0 .LBB2_2-.Ltmp0, $4  }
0x42: {  	[spmem:s2] =	stream.indirect.scatter.add.f32 [tilespmem:s9], [sflag:$0x3], $0x1, s25, s12, $0xb8;
	[tilespmem:$0x2B00] =	vst v63  }
0x43: {  	_ =	swait.ge [sflag:s18], $0x80  }
0x44: {  	[sflag:s18] =	ssyncset.done $0x0  }
0x45: {  	s24 =	sadd.s32 $0x2980, s24;
	[sflag:s18] =	ssyncadd.s32 $0xFFFFFF80  }
0x46: {  	[spmem:s2] =	stream.indirect.scatter.add.f32 [tilespmem:s9], [sflag:$0x4], $0x1, s24, s12, $0xb8;
	[tilespmem:$0x2B00] =	vst v63  }
0x47: {  	_ =	swait.ge [sflag:s15], $0x80  }
0x48: {  	[sflag:s15] =	ssyncset.done $0x0  }
0x49: {  	[sflag:s15] =	ssyncadd.s32 $0xFFFFFF80  }
0x4a: {  	_ =	swait.ge [sflag:s16], $0x80  }
0x4b: {  	[sflag:s16] =	ssyncset.done $0x0  }
0x4c: {  	[sflag:s16] =	ssyncadd.s32 $0xFFFFFF80  }
0x4d: {  	_ =	swait.ge [sflag:s17], $0x80  }
0x4e: {  	[sflag:s17] =	ssyncset.done $0x0  }
0x4f: {  	[sflag:s17] =	ssyncadd.s32 $0xFFFFFF80  }
0x50: {  	_ =	swait.ge [sflag:s18], $0x80  }
0x51: {  	s22 =	sadd.s32 $0x1, s22;
	[sflag:s18] =	ssyncset.done $0x0  }
0x52: {  	p0 =	sne.s32 s22, s7;
	[sflag:s18] =	ssyncadd.s32 $0xFFFFFF80  }
.Ltmp1:
0x53: {  	[bflag:$0x0] =	sbarrier.arrive $0xFFFF;
	(pc) =	sbr.rel @p0 .LBB2_1-.Ltmp1, $4  }
0x54: {  	[hbm:s19@s20], [sflag:s10] =	dma.strided [spmem:s11@s21], $0x50, s15, $0x10   }
0x55: {  	_ =	swait.ge [sflag:s8], $0x50  }
0x56: {  	[sflag:s8] =	ssyncset.done $0x0  }
0x57: {  	[sflag:s8] =	ssyncadd.s32 $0xFFFFFFB0  }
0x58: {  	_ =	sfence.sel $0x180000  }
0x59: {  	[bflag:$0x0] =	sbarrier.arrive $0xFFFF  }
0x5a: {  	p0 =	sne.s32 s1, $0x0;
	_ =	strace $0x90000047  }
0x5b: {  	s0 =	sadd.s32 @!p0 $0x100000, s0;
	[bflag:$0x2] =	sbarrier.arrive $0xFFFF  }
0x5c: {  	[sflag:s0] =	ssyncadd.tile.s32 @!p0 $0x1;
	_ =	shalt  }
.Lfunc_end2:
_tile_overlayer_lowered:
.L_overlay_start_2:
0x5d: {  	(tag) =	ssettag $0x2  }
0x5e: {  	s0 =	rddreg [dreg:$0x0];
	s2 =	stileid.u32  }
0x5f: {  	s1 =	rddreg [dreg:$0x1];
	p0 =	sne.s32 s2, $0x0  }
0x60: {  	s3 =	rddreg [dreg:$0x2];
	[bflag:$0x3] =	sbarrier.arrive $0xFFFF;
	s2 =	simm.s32 @!p0 $0x1C05  }
0x61: {  	[timem:s3], [sflag:s2] =	dma.local @!p0 [hbm:s0], s1  }
0x62: {  	s0 =	simm.s32 @!p0 $0x5  }
0x63: {  	_ =	swait.ge @!p0 [sflag:s0], s1  }
0x64: {  	s1 =	ssub.s32 @!p0 $0x0, s1;
	[sflag:s0] =	ssyncset.done @!p0 $0x0  }
0x65: {  	[sflag:s0] =	ssyncadd.s32 @!p0 s1  }
0x66: {  	[bflag:$0x3] =	sbarrier.arrive $0xFFFF  }
0x67: {  	_ =	shalt  }

</sc_bundles>
